<compile_context>
chip_gen: v7x
topology: tpu7x:2x2x1
jax: 0.10.2.dev20260603
libtpu: 0.0.44.dev20260713+nightly
codegen_flags: <defaults>
</compile_context>

<pallas_src>
import functools

import jax
import jax.numpy as jnp
from jax import lax
from jax.experimental import pallas as pl
from jax.experimental.pallas import tpu as pltpu
from jax.experimental.pallas import tpu_sc as plsc

KNN = 16
TQ = 256
TQ2 = 256
SC_CHUNK = 128
TW = 256


def stage_a_body(coords_ref, coordsq_ref, featsT_ref, WinT_ref, Wt1T_ref,
                 Wt2T_ref, Wg1T_ref, Wg2T_ref, table_ref, wphi_ref, idx_ref):
    b = pl.program_id(0)
    n_all = coords_ref.shape[-1]
    fT = featsT_ref[0]
    linT = jnp.dot(fT, WinT_ref[...], preferred_element_type=jnp.float32)
    phiT = linT[:, 0:64]
    psiT = linT[:, 64:128]
    alphaT = linT[:, 128:192]
    WgT = jnp.dot(Wg1T_ref[...], Wg2T_ref[...],
                  preferred_element_type=jnp.float32)
    wphiT = jnp.dot(phiT, WgT, preferred_element_type=jnp.float32)
    wpsiT = jnp.dot(psiT, WgT, preferred_element_type=jnp.float32)
    q = coordsq_ref[0]
    t1 = (q[:, 0:1] * Wt1T_ref[0:1, :] + q[:, 1:2] * Wt1T_ref[1:2, :]
          + q[:, 2:3] * Wt1T_ref[2:3, :])
    tcT = jnp.dot(t1, Wt2T_ref[...], preferred_element_type=jnp.float32)

    def pack(cols):
        r = cols.astype(jnp.bfloat16).astype(jnp.float32)
        lo = lax.shift_right_logical(
            lax.bitcast_convert_type(r[:, 0:32], jnp.int32), 16)
        hi = lax.bitcast_convert_type(r[:, 32:64], jnp.int32)
        return lax.bitcast_convert_type(hi | lo, jnp.float32)

    table_ref[0] = jnp.concatenate([tcT, pack(wpsiT), pack(alphaT)], axis=1)
    wphi_ref[0] = wphiT
    a8 = coords_ref[0]
    inner = jnp.dot(q.astype(jnp.bfloat16), a8.astype(jnp.bfloat16),
                    preferred_element_type=jnp.float32)
    q2 = q[:, 0:1] * q[:, 0:1] + q[:, 1:2] * q[:, 1:2] + q[:, 2:3] * q[:, 2:3]
    a2 = (a8[0:1, :] * a8[0:1, :] + a8[1:2, :] * a8[1:2, :]
          + a8[2:3, :] * a8[2:3, :])
    d = (q2 - 2.0 * inner) + a2
    iota = lax.broadcasted_iota(jnp.int32, d.shape, 1)
    inf = jnp.float32(jnp.inf)
    cols = []
    for _ in range(KNN):
        ij = jnp.argmin(d, axis=1, keepdims=True).astype(jnp.int32)
        cols.append(ij)
        d = jnp.where(iota == ij, inf, d)
    idxs = jnp.concatenate(cols, axis=1)
    idx_ref[0] = idxs + b * n_all


def sc_gather_body(table_hbm, idx_hbm, out_hbm, idx_v, buf, sem):
    c = lax.axis_index("c")
    s = lax.axis_index("s")
    wid = s * 2 + c
    rows_total = idx_hbm.shape[0]
    rw = rows_total // 32
    nch = rw // SC_CHUNK

    def body(i, carry):
        off = wid * rw + i * SC_CHUNK
        pltpu.sync_copy(idx_hbm.at[pl.ds(off, SC_CHUNK)], idx_v)
        pltpu.async_copy(table_hbm.at[idx_v], buf, sem).wait()
        pltpu.sync_copy(buf, out_hbm.at[pl.ds(off, SC_CHUNK)])
        return carry

    lax.fori_loop(0, nch, body, 0)


def stage_c_body(G_ref, table_ref, wphi_ref, Wg1T_ref, Wg2T_ref, out_ref):
    WgT = jnp.dot(Wg1T_ref[...], Wg2T_ref[...],
                  preferred_element_type=jnp.float32)
    tcn = table_ref[0][:, 0:64]
    wphin = wphi_ref[0]
    G = G_ref[0]

    def unpack(words):
        wi = lax.bitcast_convert_type(words, jnp.int32)
        lo = lax.bitcast_convert_type(wi << 16, jnp.float32)
        hi = lax.bitcast_convert_type(
            wi & jnp.int32(-65536), jnp.float32)
        return jnp.concatenate([lo, hi], axis=-1)

    tck = G[:, :, 0:64]
    wpsik = unpack(G[:, :, 64:96])
    alphak = unpack(G[:, :, 96:128])
    tcr = jnp.broadcast_to(tcn[:, None, :], (TQ2, KNN, 64))
    wpr = jnp.broadcast_to(wphin[:, None, :], (TQ2, KNN, 64))
    delta = jnp.maximum(tcr - tck, 0.0)
    gam = jnp.dot(delta.reshape(TQ2 * KNN, 64), WgT,
                  preferred_element_type=jnp.float32).reshape(TQ2, KNN, 64)
    gam = jnp.maximum(wpr - wpsik.astype(jnp.float32) + gam, 0.0)
    m = jnp.max(gam, axis=1, keepdims=True)
    e = jnp.exp(gam - m)
    ssum = jnp.sum(e, axis=1)
    acc = jnp.sum(e * (alphak.astype(jnp.float32) + delta), axis=1)
    out_ref[0] = acc / ssum


def kernel(features, coords, W_in, Wt1, Wt2, Wg1, Wg2):
    B, C_in, N = features.shape
    C_out = Wt1.shape[0]
    featsT = jnp.transpose(features, (0, 2, 1))
    coordsq = jnp.transpose(coords, (0, 2, 1))
    coordsq = jnp.pad(coordsq, ((0, 0), (0, 0), (0, 5)))
    coords8 = jnp.pad(coords, ((0, 0), (0, 5), (0, 0)))
    WinT = W_in.T
    Wt1T = Wt1.T
    Wt2T = Wt2.T
    Wg1T = Wg1.T
    Wg2T = Wg2.T

    stage_a = pl.pallas_call(
        stage_a_body,
        grid=(1, N // TQ),
        in_specs=[
            pl.BlockSpec((1, 8, N), lambda b, qi: (b, 0, 0)),
            pl.BlockSpec((1, TQ, 8), lambda b, qi: (b, qi, 0)),
            pl.BlockSpec((1, TQ, C_in), lambda b, qi: (b, qi, 0)),
            pl.BlockSpec((C_in, 3 * C_out), lambda b, qi: (0, 0)),
            pl.BlockSpec((3, C_out), lambda b, qi: (0, 0)),
            pl.BlockSpec((C_out, C_out), lambda b, qi: (0, 0)),
            pl.BlockSpec((C_out, C_out), lambda b, qi: (0, 0)),
            pl.BlockSpec((C_out, C_out), lambda b, qi: (0, 0)),
        ],
        out_specs=[
            pl.BlockSpec((1, TQ, 128), lambda b, qi: (b, qi, 0)),
            pl.BlockSpec((1, TQ, C_out), lambda b, qi: (b, qi, 0)),
            pl.BlockSpec((1, TQ, KNN), lambda b, qi: (b, qi, 0)),
        ],
        out_shape=[
            jax.ShapeDtypeStruct((1, N, 128), jnp.float32),
            jax.ShapeDtypeStruct((1, N, C_out), jnp.float32),
            jax.ShapeDtypeStruct((1, N, KNN), jnp.int32),
        ],
    )

    Rb = N * KNN
    gather = pl.kernel(
        sc_gather_body,
        out_type=jax.ShapeDtypeStruct((Rb, 128), jnp.float32),
        mesh=plsc.VectorSubcoreMesh(core_axis_name="c", subcore_axis_name="s"),
        scratch_types=[
            pltpu.VMEM((SC_CHUNK,), jnp.int32),
            pltpu.VMEM((SC_CHUNK, 128), jnp.float32),
            pltpu.SemaphoreType.DMA,
        ],
    )

    stage_c = pl.pallas_call(
        stage_c_body,
        grid=(1, N // TQ2),
        in_specs=[
            pl.BlockSpec((1, TQ2, KNN, 128), lambda b, qi: (b, qi, 0, 0),),
            pl.BlockSpec((1, TQ2, 128), lambda b, qi: (b, qi, 0)),
            pl.BlockSpec((1, TQ2, C_out), lambda b, qi: (b, qi, 0)),
            pl.BlockSpec((C_out, C_out), lambda b, qi: (0, 0)),
            pl.BlockSpec((C_out, C_out), lambda b, qi: (0, 0)),
        ],
        out_specs=pl.BlockSpec((1, TQ2, C_out), lambda b, qi: (b, qi, 0)),
        out_shape=jax.ShapeDtypeStruct((1, N, C_out), jnp.float32),
    )

    outs = []
    for b in range(B):
        table, wphi, idx = stage_a(
            coords8[b:b + 1], coordsq[b:b + 1], featsT[b:b + 1],
            WinT, Wt1T, Wt2T, Wg1T, Wg2T)
        G = gather(table.reshape(N, 128), idx.reshape(Rb))
        outs.append(stage_c(
            G.reshape(1, N, KNN, 128), table, wphi, Wg1T, Wg2T))
    return jnp.transpose(jnp.concatenate(outs, axis=0), (0, 2, 1))

# --- scband reference (transcript-rebuilt; emitter-appended) ---
"""Pipeline reference for scband-point-transformer-layer-60825326846158 (READ-ONLY COPY).

The authoritative reference and input builder live on the scoring server;
editing this copy changes nothing except your own understanding.
"""

import jax, jax.numpy as jnp
import numpy as np


def index2points(points, idx):
    # points: (B, C, N), idx: (B, N, k) -> (B, C, N, k)
    B, C, N = points.shape
    k = idx.shape[-1]
    idxb = jnp.broadcast_to(idx.reshape(B, 1, N * k), (B, C, N * k))
    return jnp.take_along_axis(points, idxb, axis=2).reshape(B, C, N, k)


def setup_inputs(seed: int = 0):
    key = jax.random.key(seed)
    ks = jax.random.split(key, 7)
    B, C_in, C_out, N = 4, 64, 64, 4096
    features = jax.random.normal(ks[0], (B, C_in, N), dtype=jnp.float32)
    coords = jax.random.normal(ks[1], (B, 3, N), dtype=jnp.float32)
    W_in = jax.random.normal(ks[2], (3 * C_out, C_in), dtype=jnp.float32) * 0.05
    Wt1 = jax.random.normal(ks[3], (C_out, 3), dtype=jnp.float32) * 0.1
    Wt2 = jax.random.normal(ks[4], (C_out, C_out), dtype=jnp.float32) * 0.1
    Wg1 = jax.random.normal(ks[5], (C_out, C_out), dtype=jnp.float32) * 0.1
    Wg2 = jax.random.normal(ks[6], (C_out, C_out), dtype=jnp.float32) * 0.1
    return {"features": features, "coords": coords, "W_in": W_in,
            "Wt1": Wt1, "Wt2": Wt2, "Wg1": Wg1, "Wg2": Wg2}


def reference(features, coords, W_in, Wt1, Wt2, Wg1, Wg2):
    K = 16
    # k_nearest_neighbors(coords, coords, k): pairwise sq-dists + top-k smallest
    n2 = jnp.sum(coords * coords, axis=1)  # (B, N)
    inner = jnp.einsum('bcn,bcm->bnm', coords, coords)  # (B, N, N)
    dists = n2[:, :, None] - 2.0 * inner + n2[:, None, :]
    _, knn_idx = jax.lax.top_k(-dists, K)  # (B, N, K)

    # PositionEncoding: localize(coords, knn_coords) * -1 -> mlp_theta
    knn_coords = index2points(coords, knn_idx)  # (B, 3, N, K)
    coords_space = (knn_coords - coords[:, :, :, None]) * -1.0
    t = jnp.einsum('oc,bcnk->bonk', Wt1, coords_space)
    t = jnp.einsum('oc,bcnk->bonk', Wt2, t)
    delta = jax.nn.relu(t)  # (B, C_out, N, K)

    # input_linear (Conv1d 1x1, no bias) + chunk
    lin = jnp.einsum('oc,bcn->bon', W_in, features)  # (B, 3*C_out, N)
    phi, psi, alpha = jnp.split(lin, 3, axis=1)

    psi_k = index2points(psi, knn_idx)  # (B, C_out, N, K)
    inputs_gamma = (psi_k - phi[:, :, :, None]) * -1.0 + delta
    g = jnp.einsum('oc,bcnk->bonk', Wg1, inputs_gamma)
    g = jnp.einsum('oc,bcnk->bonk', Wg2, g)
    gamma = jax.nn.relu(g)
    rho = jax.nn.softmax(gamma, axis=-1)

    alpha_k = index2points(alpha, knn_idx)
    out = jnp.sum(rho * (alpha_k + delta), axis=-1)  # (B, C_out, N)
    return out

if __name__ == "__main__":
    import jax
    _d = setup_inputs()
    print(jax.jit(kernel)(*tuple(_d.values())))

</pallas_src>

<mosaic_0001>
#map = affine_map<(d0, d1) -> (0, 0)>
#map1 = affine_map<(d0, d1) -> (0)>
module attributes {stable_mosaic.version = 14 : i64} {
  func.func @sc_gather_body(%arg0: i32, %arg1: i32, %arg2: memref<4096x128xf32, #tpu.memory_space<hbm>>, %arg3: memref<65536xi32, #tpu.memory_space<hbm>>, %arg4: memref<65536x128xf32, #tpu.memory_space<hbm>>, %arg5: memref<128xi32, #tpu.memory_space<vmem>>, %arg6: memref<128x128xf32, #tpu.memory_space<vmem>>, %arg7: memref<!tpu.dma_semaphore, #tpu.memory_space<semaphore_mem>>) attributes {dimension_semantics = [#tpu.dimension_semantics<core_parallel>, #tpu.dimension_semantics<subcore_parallel>], iteration_bounds = array<i64: 2, 16>, scalar_prefetch = 0 : i64, scratch_operands = 3 : i64, tpu.core_type = #tpu.core_type<sc_vector_subcore>, window_params = [{transform_indices = #map}, {transform_indices = #map1}, {transform_indices = #map}]} {
    %mul3A = arith.constant 2 : i32
    %mul3A_0 = arith.muli %arg1, %mul3A : i32
    %add3A = arith.addi %mul3A_0, %arg0 : i32
    %scan3A = arith.constant 0 : i32
    %scan3A_1 = arith.constant 0 : i32
    %scan3A_2 = arith.constant 16 : i32
    %scan3A_3 = arith.addi %scan3A_1, %scan3A_2 : i32
    %scan3A_4 = arith.constant 1 : i32
    scf.for %scan3A_6 = %scan3A_1 to %scan3A_3 step %scan3A_4  : i32 {
      %mul3A_7 = arith.constant 2048 : i32
      %mul3A_8 = arith.muli %add3A, %mul3A_7 : i32
      %mul3A_9 = arith.constant 128 : i32
      %mul3A_10 = arith.muli %scan3A_6, %mul3A_9 : i32
      %add3A_11 = arith.addi %mul3A_8, %mul3A_10 : i32
      "tpu.region"() ({
        %run_scoped3A = tpu.sem_alloc : memref<!tpu.dma_semaphore, #tpu.memory_space<semaphore_mem>>
        %dma_start3A_16 = tpu.memref_slice %arg3[%add3A_11] : memref<65536xi32, #tpu.memory_space<hbm>> -> memref<128xi32, #tpu.memory_space<hbm>>
        %dma_start3A_17 = tpu.memref_slice %arg3[%add3A_11] : memref<65536xi32, #tpu.memory_space<hbm>> -> memref<128xi32, #tpu.memory_space<hbm>>
        tpu.enqueue_dma source(%dma_start3A_17 : memref<128xi32, #tpu.memory_space<hbm>>) target(%arg5 : memref<128xi32, #tpu.memory_space<vmem>>) target_semaphore(%run_scoped3A : memref<!tpu.dma_semaphore, #tpu.memory_space<semaphore_mem>>)
        %dma_wait3A_18 = tpu.memref_slice %arg3[%add3A_11] : memref<65536xi32, #tpu.memory_space<hbm>> -> memref<128xi32, #tpu.memory_space<hbm>>
        %dma_wait3A_19 = tpu.memref_slice %arg3[%add3A_11] : memref<65536xi32, #tpu.memory_space<hbm>> -> memref<128xi32, #tpu.memory_space<hbm>>
        tpu.wait_dma2 semaphore(%run_scoped3A : memref<!tpu.dma_semaphore, #tpu.memory_space<semaphore_mem>>) src(%dma_wait3A_19 : memref<128xi32, #tpu.memory_space<hbm>>) dst(%arg5 : memref<128xi32, #tpu.memory_space<vmem>>)
        tpu.yield
      }) : () -> ()
      %dma_start3A = arith.constant 0 : i32
      %dma_start3A_12 = arith.constant 0 : i32
      %dma_start3A_13 = tpu.memref_slice %arg2[%dma_start3A, %dma_start3A_12] : memref<4096x128xf32, #tpu.memory_space<hbm>> -> memref<4096x128xf32, #tpu.memory_space<hbm>>
      tpu.enqueue_indirect_dma source(%dma_start3A_13 : memref<4096x128xf32, #tpu.memory_space<hbm>>) target(%arg6 : memref<128x128xf32, #tpu.memory_space<vmem>>) offsets(%arg5 : memref<128xi32, #tpu.memory_space<vmem>>) semaphore(%arg7 : memref<!tpu.dma_semaphore, #tpu.memory_space<semaphore_mem>>)
      %dma_wait3A = arith.constant 0 : i32
      %dma_wait3A_14 = arith.constant 0 : i32
      %dma_wait3A_15 = tpu.memref_slice %arg2[%dma_wait3A, %dma_wait3A_14] : memref<4096x128xf32, #tpu.memory_space<hbm>> -> memref<4096x128xf32, #tpu.memory_space<hbm>>
      tpu.wait_indirect_dma semaphore(%arg7 : memref<!tpu.dma_semaphore, #tpu.memory_space<semaphore_mem>>) src(%dma_wait3A_15 : memref<4096x128xf32, #tpu.memory_space<hbm>>) dst(%arg6 : memref<128x128xf32, #tpu.memory_space<vmem>>)
      "tpu.region"() ({
        %run_scoped3A = tpu.sem_alloc : memref<!tpu.dma_semaphore, #tpu.memory_space<semaphore_mem>>
        %dma_start3A_16 = arith.constant 0 : i32
        %dma_start3A_17 = tpu.memref_slice %arg4[%add3A_11, %dma_start3A_16] : memref<65536x128xf32, #tpu.memory_space<hbm>> -> memref<128x128xf32, #tpu.memory_space<hbm>>
        %dma_start3A_18 = arith.constant 0 : i32
        %dma_start3A_19 = tpu.memref_slice %arg4[%add3A_11, %dma_start3A_18] : memref<65536x128xf32, #tpu.memory_space<hbm>> -> memref<128x128xf32, #tpu.memory_space<hbm>>
        tpu.enqueue_dma source(%arg6 : memref<128x128xf32, #tpu.memory_space<vmem>>) target(%dma_start3A_19 : memref<128x128xf32, #tpu.memory_space<hbm>>) target_semaphore(%run_scoped3A : memref<!tpu.dma_semaphore, #tpu.memory_space<semaphore_mem>>)
        %dma_wait3A_20 = arith.constant 0 : i32
        %dma_wait3A_21 = tpu.memref_slice %arg4[%add3A_11, %dma_wait3A_20] : memref<65536x128xf32, #tpu.memory_space<hbm>> -> memref<128x128xf32, #tpu.memory_space<hbm>>
        %dma_wait3A_22 = arith.constant 0 : i32
        %dma_wait3A_23 = tpu.memref_slice %arg4[%add3A_11, %dma_wait3A_22] : memref<65536x128xf32, #tpu.memory_space<hbm>> -> memref<128x128xf32, #tpu.memory_space<hbm>>
        tpu.wait_dma2 semaphore(%run_scoped3A : memref<!tpu.dma_semaphore, #tpu.memory_space<semaphore_mem>>) src(%arg6 : memref<128x128xf32, #tpu.memory_space<vmem>>) dst(%dma_wait3A_23 : memref<128x128xf32, #tpu.memory_space<hbm>>)
        tpu.yield
      }) : () -> ()
    }
    %scan3A_5 = arith.constant 16 : i32
    return
  }
}

#map = affine_map<(d0, d1) -> (0, 0)>
#map1 = affine_map<(d0, d1) -> (0)>
module attributes {stable_mosaic.version = 14 : i64} {
  func.func @sc_gather_body(%arg0: i32, %arg1: i32, %arg2: memref<4096x128xf32, #tpu.memory_space<hbm>>, %arg3: memref<65536xi32, #tpu.memory_space<hbm>>, %arg4: memref<65536x128xf32, #tpu.memory_space<hbm>>, %arg5: memref<128xi32, #tpu.memory_space<vmem>>, %arg6: memref<128x128xf32, #tpu.memory_space<vmem>>, %arg7: memref<!tpu.dma_semaphore, #tpu.memory_space<semaphore_mem>>) attributes {dimension_semantics = [#tpu.dimension_semantics<core_parallel>, #tpu.dimension_semantics<subcore_parallel>], iteration_bounds = array<i64: 2, 16>, scalar_prefetch = 0 : i64, scratch_operands = 3 : i64, tpu.core_type = #tpu.core_type<sc_vector_subcore>, window_params = [{transform_indices = #map}, {transform_indices = #map1}, {transform_indices = #map}]} {
    %mul3A = arith.constant 2 : i32
    %mul3A_0 = arith.muli %arg1, %mul3A : i32
    %add3A = arith.addi %mul3A_0, %arg0 : i32
    %scan3A = arith.constant 0 : i32
    %scan3A_1 = arith.constant 0 : i32
    %scan3A_2 = arith.constant 16 : i32
    %scan3A_3 = arith.addi %scan3A_1, %scan3A_2 : i32
    %scan3A_4 = arith.constant 1 : i32
    scf.for %scan3A_6 = %scan3A_1 to %scan3A_3 step %scan3A_4  : i32 {
      %mul3A_7 = arith.constant 2048 : i32
      %mul3A_8 = arith.muli %add3A, %mul3A_7 : i32
      %mul3A_9 = arith.constant 128 : i32
      %mul3A_10 = arith.muli %scan3A_6, %mul3A_9 : i32
      %add3A_11 = arith.addi %mul3A_8, %mul3A_10 : i32
      "tpu.region"() ({
        %run_scoped3A = tpu.sem_alloc : memref<!tpu.dma_semaphore, #tpu.memory_space<semaphore_mem>>
        %dma_start3A_16 = tpu.memref_slice %arg3[%add3A_11] : memref<65536xi32, #tpu.memory_space<hbm>> -> memref<128xi32, #tpu.memory_space<hbm>>
        %dma_start3A_17 = tpu.memref_slice %arg3[%add3A_11] : memref<65536xi32, #tpu.memory_space<hbm>> -> memref<128xi32, #tpu.memory_space<hbm>>
        tpu.enqueue_dma source(%dma_start3A_17 : memref<128xi32, #tpu.memory_space<hbm>>) target(%arg5 : memref<128xi32, #tpu.memory_space<vmem>>) target_semaphore(%run_scoped3A : memref<!tpu.dma_semaphore, #tpu.memory_space<semaphore_mem>>)
        %dma_wait3A_18 = tpu.memref_slice %arg3[%add3A_11] : memref<65536xi32, #tpu.memory_space<hbm>> -> memref<128xi32, #tpu.memory_space<hbm>>
        %dma_wait3A_19 = tpu.memref_slice %arg3[%add3A_11] : memref<65536xi32, #tpu.memory_space<hbm>> -> memref<128xi32, #tpu.memory_space<hbm>>
        tpu.wait_dma2 semaphore(%run_scoped3A : memref<!tpu.dma_semaphore, #tpu.memory_space<semaphore_mem>>) src(%dma_wait3A_19 : memref<128xi32, #tpu.memory_space<hbm>>) dst(%arg5 : memref<128xi32, #tpu.memory_space<vmem>>)
        tpu.yield
      }) : () -> ()
      %dma_start3A = arith.constant 0 : i32
      %dma_start3A_12 = arith.constant 0 : i32
      %dma_start3A_13 = tpu.memref_slice %arg2[%dma_start3A, %dma_start3A_12] : memref<4096x128xf32, #tpu.memory_space<hbm>> -> memref<4096x128xf32, #tpu.memory_space<hbm>>
      tpu.enqueue_indirect_dma source(%dma_start3A_13 : memref<4096x128xf32, #tpu.memory_space<hbm>>) target(%arg6 : memref<128x128xf32, #tpu.memory_space<vmem>>) offsets(%arg5 : memref<128xi32, #tpu.memory_space<vmem>>) semaphore(%arg7 : memref<!tpu.dma_semaphore, #tpu.memory_space<semaphore_mem>>)
      %dma_wait3A = arith.constant 0 : i32
      %dma_wait3A_14 = arith.constant 0 : i32
      %dma_wait3A_15 = tpu.memref_slice %arg2[%dma_wait3A, %dma_wait3A_14] : memref<4096x128xf32, #tpu.memory_space<hbm>> -> memref<4096x128xf32, #tpu.memory_space<hbm>>
      tpu.wait_indirect_dma semaphore(%arg7 : memref<!tpu.dma_semaphore, #tpu.memory_space<semaphore_mem>>) src(%dma_wait3A_15 : memref<4096x128xf32, #tpu.memory_space<hbm>>) dst(%arg6 : memref<128x128xf32, #tpu.memory_space<vmem>>)
      "tpu.region"() ({
        %run_scoped3A = tpu.sem_alloc : memref<!tpu.dma_semaphore, #tpu.memory_space<semaphore_mem>>
        %dma_start3A_16 = arith.constant 0 : i32
        %dma_start3A_17 = tpu.memref_slice %arg4[%add3A_11, %dma_start3A_16] : memref<65536x128xf32, #tpu.memory_space<hbm>> -> memref<128x128xf32, #tpu.memory_space<hbm>>
        %dma_start3A_18 = arith.constant 0 : i32
        %dma_start3A_19 = tpu.memref_slice %arg4[%add3A_11, %dma_start3A_18] : memref<65536x128xf32, #tpu.memory_space<hbm>> -> memref<128x128xf32, #tpu.memory_space<hbm>>
        tpu.enqueue_dma source(%arg6 : memref<128x128xf32, #tpu.memory_space<vmem>>) target(%dma_start3A_19 : memref<128x128xf32, #tpu.memory_space<hbm>>) target_semaphore(%run_scoped3A : memref<!tpu.dma_semaphore, #tpu.memory_space<semaphore_mem>>)
        %dma_wait3A_20 = arith.constant 0 : i32
        %dma_wait3A_21 = tpu.memref_slice %arg4[%add3A_11, %dma_wait3A_20] : memref<65536x128xf32, #tpu.memory_space<hbm>> -> memref<128x128xf32, #tpu.memory_space<hbm>>
        %dma_wait3A_22 = arith.constant 0 : i32
        %dma_wait3A_23 = tpu.memref_slice %arg4[%add3A_11, %dma_wait3A_22] : memref<65536x128xf32, #tpu.memory_space<hbm>> -> memref<128x128xf32, #tpu.memory_space<hbm>>
        tpu.wait_dma2 semaphore(%run_scoped3A : memref<!tpu.dma_semaphore, #tpu.memory_space<semaphore_mem>>) src(%arg6 : memref<128x128xf32, #tpu.memory_space<vmem>>) dst(%dma_wait3A_23 : memref<128x128xf32, #tpu.memory_space<hbm>>)
        tpu.yield
      }) : () -> ()
    }
    %scan3A_5 = arith.constant 16 : i32
    return
  }
}

#map = affine_map<(d0, d1) -> (0, 0)>
#map1 = affine_map<(d0, d1) -> (0)>
module attributes {stable_mosaic.version = 14 : i64} {
  func.func @sc_gather_body(%arg0: i32, %arg1: i32, %arg2: memref<4096x128xf32, #tpu.memory_space<hbm>>, %arg3: memref<65536xi32, #tpu.memory_space<hbm>>, %arg4: memref<65536x128xf32, #tpu.memory_space<hbm>>, %arg5: memref<128xi32, #tpu.memory_space<vmem>>, %arg6: memref<128x128xf32, #tpu.memory_space<vmem>>, %arg7: memref<!tpu.dma_semaphore, #tpu.memory_space<semaphore_mem>>) attributes {dimension_semantics = [#tpu.dimension_semantics<core_parallel>, #tpu.dimension_semantics<subcore_parallel>], iteration_bounds = array<i64: 2, 16>, scalar_prefetch = 0 : i64, scratch_operands = 3 : i64, tpu.core_type = #tpu.core_type<sc_vector_subcore>, window_params = [{transform_indices = #map}, {transform_indices = #map1}, {transform_indices = #map}]} {
    %mul3A = arith.constant 2 : i32
    %mul3A_0 = arith.muli %arg1, %mul3A : i32
    %add3A = arith.addi %mul3A_0, %arg0 : i32
    %scan3A = arith.constant 0 : i32
    %scan3A_1 = arith.constant 0 : i32
    %scan3A_2 = arith.constant 16 : i32
    %scan3A_3 = arith.addi %scan3A_1, %scan3A_2 : i32
    %scan3A_4 = arith.constant 1 : i32
    scf.for %scan3A_6 = %scan3A_1 to %scan3A_3 step %scan3A_4  : i32 {
      %mul3A_7 = arith.constant 2048 : i32
      %mul3A_8 = arith.muli %add3A, %mul3A_7 : i32
      %mul3A_9 = arith.constant 128 : i32
      %mul3A_10 = arith.muli %scan3A_6, %mul3A_9 : i32
      %add3A_11 = arith.addi %mul3A_8, %mul3A_10 : i32
      "tpu.region"() ({
        %run_scoped3A = tpu.sem_alloc : memref<!tpu.dma_semaphore, #tpu.memory_space<semaphore_mem>>
        %dma_start3A_16 = tpu.memref_slice %arg3[%add3A_11] : memref<65536xi32, #tpu.memory_space<hbm>> -> memref<128xi32, #tpu.memory_space<hbm>>
        %dma_start3A_17 = tpu.memref_slice %arg3[%add3A_11] : memref<65536xi32, #tpu.memory_space<hbm>> -> memref<128xi32, #tpu.memory_space<hbm>>
        tpu.enqueue_dma source(%dma_start3A_17 : memref<128xi32, #tpu.memory_space<hbm>>) target(%arg5 : memref<128xi32, #tpu.memory_space<vmem>>) target_semaphore(%run_scoped3A : memref<!tpu.dma_semaphore, #tpu.memory_space<semaphore_mem>>)
        %dma_wait3A_18 = tpu.memref_slice %arg3[%add3A_11] : memref<65536xi32, #tpu.memory_space<hbm>> -> memref<128xi32, #tpu.memory_space<hbm>>
        %dma_wait3A_19 = tpu.memref_slice %arg3[%add3A_11] : memref<65536xi32, #tpu.memory_space<hbm>> -> memref<128xi32, #tpu.memory_space<hbm>>
        tpu.wait_dma2 semaphore(%run_scoped3A : memref<!tpu.dma_semaphore, #tpu.memory_space<semaphore_mem>>) src(%dma_wait3A_19 : memref<128xi32, #tpu.memory_space<hbm>>) dst(%arg5 : memref<128xi32, #tpu.memory_space<vmem>>)
        tpu.yield
      }) : () -> ()
      %dma_start3A = arith.constant 0 : i32
      %dma_start3A_12 = arith.constant 0 : i32
      %dma_start3A_13 = tpu.memref_slice %arg2[%dma_start3A, %dma_start3A_12] : memref<4096x128xf32, #tpu.memory_space<hbm>> -> memref<4096x128xf32, #tpu.memory_space<hbm>>
      tpu.enqueue_indirect_dma source(%dma_start3A_13 : memref<4096x128xf32, #tpu.memory_space<hbm>>) target(%arg6 : memref<128x128xf32, #tpu.memory_space<vmem>>) offsets(%arg5 : memref<128xi32, #tpu.memory_space<vmem>>) semaphore(%arg7 : memref<!tpu.dma_semaphore, #tpu.memory_space<semaphore_mem>>)
      %dma_wait3A = arith.constant 0 : i32
      %dma_wait3A_14 = arith.constant 0 : i32
      %dma_wait3A_15 = tpu.memref_slice %arg2[%dma_wait3A, %dma_wait3A_14] : memref<4096x128xf32, #tpu.memory_space<hbm>> -> memref<4096x128xf32, #tpu.memory_space<hbm>>
      tpu.wait_indirect_dma semaphore(%arg7 : memref<!tpu.dma_semaphore, #tpu.memory_space<semaphore_mem>>) src(%dma_wait3A_15 : memref<4096x128xf32, #tpu.memory_space<hbm>>) dst(%arg6 : memref<128x128xf32, #tpu.memory_space<vmem>>)
      "tpu.region"() ({
        %run_scoped3A = tpu.sem_alloc : memref<!tpu.dma_semaphore, #tpu.memory_space<semaphore_mem>>
        %dma_start3A_16 = arith.constant 0 : i32
        %dma_start3A_17 = tpu.memref_slice %arg4[%add3A_11, %dma_start3A_16] : memref<65536x128xf32, #tpu.memory_space<hbm>> -> memref<128x128xf32, #tpu.memory_space<hbm>>
        %dma_start3A_18 = arith.constant 0 : i32
        %dma_start3A_19 = tpu.memref_slice %arg4[%add3A_11, %dma_start3A_18] : memref<65536x128xf32, #tpu.memory_space<hbm>> -> memref<128x128xf32, #tpu.memory_space<hbm>>
        tpu.enqueue_dma source(%arg6 : memref<128x128xf32, #tpu.memory_space<vmem>>) target(%dma_start3A_19 : memref<128x128xf32, #tpu.memory_space<hbm>>) target_semaphore(%run_scoped3A : memref<!tpu.dma_semaphore, #tpu.memory_space<semaphore_mem>>)
        %dma_wait3A_20 = arith.constant 0 : i32
        %dma_wait3A_21 = tpu.memref_slice %arg4[%add3A_11, %dma_wait3A_20] : memref<65536x128xf32, #tpu.memory_space<hbm>> -> memref<128x128xf32, #tpu.memory_space<hbm>>
        %dma_wait3A_22 = arith.constant 0 : i32
        %dma_wait3A_23 = tpu.memref_slice %arg4[%add3A_11, %dma_wait3A_22] : memref<65536x128xf32, #tpu.memory_space<hbm>> -> memref<128x128xf32, #tpu.memory_space<hbm>>
        tpu.wait_dma2 semaphore(%run_scoped3A : memref<!tpu.dma_semaphore, #tpu.memory_space<semaphore_mem>>) src(%arg6 : memref<128x128xf32, #tpu.memory_space<vmem>>) dst(%dma_wait3A_23 : memref<128x128xf32, #tpu.memory_space<hbm>>)
        tpu.yield
      }) : () -> ()
    }
    %scan3A_5 = arith.constant 16 : i32
    return
  }
}

#map = affine_map<(d0, d1) -> (0, 0)>
#map1 = affine_map<(d0, d1) -> (0)>
module attributes {stable_mosaic.version = 14 : i64} {
  func.func @sc_gather_body(%arg0: i32, %arg1: i32, %arg2: memref<4096x128xf32, #tpu.memory_space<hbm>>, %arg3: memref<65536xi32, #tpu.memory_space<hbm>>, %arg4: memref<65536x128xf32, #tpu.memory_space<hbm>>, %arg5: memref<128xi32, #tpu.memory_space<vmem>>, %arg6: memref<128x128xf32, #tpu.memory_space<vmem>>, %arg7: memref<!tpu.dma_semaphore, #tpu.memory_space<semaphore_mem>>) attributes {dimension_semantics = [#tpu.dimension_semantics<core_parallel>, #tpu.dimension_semantics<subcore_parallel>], iteration_bounds = array<i64: 2, 16>, scalar_prefetch = 0 : i64, scratch_operands = 3 : i64, tpu.core_type = #tpu.core_type<sc_vector_subcore>, window_params = [{transform_indices = #map}, {transform_indices = #map1}, {transform_indices = #map}]} {
    %mul3A = arith.constant 2 : i32
    %mul3A_0 = arith.muli %arg1, %mul3A : i32
    %add3A = arith.addi %mul3A_0, %arg0 : i32
    %scan3A = arith.constant 0 : i32
    %scan3A_1 = arith.constant 0 : i32
    %scan3A_2 = arith.constant 16 : i32
    %scan3A_3 = arith.addi %scan3A_1, %scan3A_2 : i32
    %scan3A_4 = arith.constant 1 : i32
    scf.for %scan3A_6 = %scan3A_1 to %scan3A_3 step %scan3A_4  : i32 {
      %mul3A_7 = arith.constant 2048 : i32
      %mul3A_8 = arith.muli %add3A, %mul3A_7 : i32
      %mul3A_9 = arith.constant 128 : i32
      %mul3A_10 = arith.muli %scan3A_6, %mul3A_9 : i32
      %add3A_11 = arith.addi %mul3A_8, %mul3A_10 : i32
      "tpu.region"() ({
        %run_scoped3A = tpu.sem_alloc : memref<!tpu.dma_semaphore, #tpu.memory_space<semaphore_mem>>
        %dma_start3A_16 = tpu.memref_slice %arg3[%add3A_11] : memref<65536xi32, #tpu.memory_space<hbm>> -> memref<128xi32, #tpu.memory_space<hbm>>
        %dma_start3A_17 = tpu.memref_slice %arg3[%add3A_11] : memref<65536xi32, #tpu.memory_space<hbm>> -> memref<128xi32, #tpu.memory_space<hbm>>
        tpu.enqueue_dma source(%dma_start3A_17 : memref<128xi32, #tpu.memory_space<hbm>>) target(%arg5 : memref<128xi32, #tpu.memory_space<vmem>>) target_semaphore(%run_scoped3A : memref<!tpu.dma_semaphore, #tpu.memory_space<semaphore_mem>>)
        %dma_wait3A_18 = tpu.memref_slice %arg3[%add3A_11] : memref<65536xi32, #tpu.memory_space<hbm>> -> memref<128xi32, #tpu.memory_space<hbm>>
        %dma_wait3A_19 = tpu.memref_slice %arg3[%add3A_11] : memref<65536xi32, #tpu.memory_space<hbm>> -> memref<128xi32, #tpu.memory_space<hbm>>
        tpu.wait_dma2 semaphore(%run_scoped3A : memref<!tpu.dma_semaphore, #tpu.memory_space<semaphore_mem>>) src(%dma_wait3A_19 : memref<128xi32, #tpu.memory_space<hbm>>) dst(%arg5 : memref<128xi32, #tpu.memory_space<vmem>>)
        tpu.yield
      }) : () -> ()
      %dma_start3A = arith.constant 0 : i32
      %dma_start3A_12 = arith.constant 0 : i32
      %dma_start3A_13 = tpu.memref_slice %arg2[%dma_start3A, %dma_start3A_12] : memref<4096x128xf32, #tpu.memory_space<hbm>> -> memref<4096x128xf32, #tpu.memory_space<hbm>>
      tpu.enqueue_indirect_dma source(%dma_start3A_13 : memref<4096x128xf32, #tpu.memory_space<hbm>>) target(%arg6 : memref<128x128xf32, #tpu.memory_space<vmem>>) offsets(%arg5 : memref<128xi32, #tpu.memory_space<vmem>>) semaphore(%arg7 : memref<!tpu.dma_semaphore, #tpu.memory_space<semaphore_mem>>)
      %dma_wait3A = arith.constant 0 : i32
      %dma_wait3A_14 = arith.constant 0 : i32
      %dma_wait3A_15 = tpu.memref_slice %arg2[%dma_wait3A, %dma_wait3A_14] : memref<4096x128xf32, #tpu.memory_space<hbm>> -> memref<4096x128xf32, #tpu.memory_space<hbm>>
      tpu.wait_indirect_dma semaphore(%arg7 : memref<!tpu.dma_semaphore, #tpu.memory_space<semaphore_mem>>) src(%dma_wait3A_15 : memref<4096x128xf32, #tpu.memory_space<hbm>>) dst(%arg6 : memref<128x128xf32, #tpu.memory_space<vmem>>)
      "tpu.region"() ({
        %run_scoped3A = tpu.sem_alloc : memref<!tpu.dma_semaphore, #tpu.memory_space<semaphore_mem>>
        %dma_start3A_16 = arith.constant 0 : i32
        %dma_start3A_17 = tpu.memref_slice %arg4[%add3A_11, %dma_start3A_16] : memref<65536x128xf32, #tpu.memory_space<hbm>> -> memref<128x128xf32, #tpu.memory_space<hbm>>
        %dma_start3A_18 = arith.constant 0 : i32
        %dma_start3A_19 = tpu.memref_slice %arg4[%add3A_11, %dma_start3A_18] : memref<65536x128xf32, #tpu.memory_space<hbm>> -> memref<128x128xf32, #tpu.memory_space<hbm>>
        tpu.enqueue_dma source(%arg6 : memref<128x128xf32, #tpu.memory_space<vmem>>) target(%dma_start3A_19 : memref<128x128xf32, #tpu.memory_space<hbm>>) target_semaphore(%run_scoped3A : memref<!tpu.dma_semaphore, #tpu.memory_space<semaphore_mem>>)
        %dma_wait3A_20 = arith.constant 0 : i32
        %dma_wait3A_21 = tpu.memref_slice %arg4[%add3A_11, %dma_wait3A_20] : memref<65536x128xf32, #tpu.memory_space<hbm>> -> memref<128x128xf32, #tpu.memory_space<hbm>>
        %dma_wait3A_22 = arith.constant 0 : i32
        %dma_wait3A_23 = tpu.memref_slice %arg4[%add3A_11, %dma_wait3A_22] : memref<65536x128xf32, #tpu.memory_space<hbm>> -> memref<128x128xf32, #tpu.memory_space<hbm>>
        tpu.wait_dma2 semaphore(%run_scoped3A : memref<!tpu.dma_semaphore, #tpu.memory_space<semaphore_mem>>) src(%arg6 : memref<128x128xf32, #tpu.memory_space<vmem>>) dst(%dma_wait3A_23 : memref<128x128xf32, #tpu.memory_space<hbm>>)
        tpu.yield
      }) : () -> ()
    }
    %scan3A_5 = arith.constant 16 : i32
    return
  }
}

module attributes {stable_mosaic.version = 14 : i64} {
  func.func @stage_a_body(%arg0: i32, %arg1: i32, %arg2: memref<1x8x4096xf32, #tpu.memory_space<vmem>>, %arg3: memref<1x256x8xf32, #tpu.memory_space<vmem>>, %arg4: memref<1x256x64xf32, #tpu.memory_space<vmem>>, %arg5: memref<64x192xf32, #tpu.memory_space<vmem>>, %arg6: memref<3x64xf32, #tpu.memory_space<vmem>>, %arg7: memref<64x64xf32, #tpu.memory_space<vmem>>, %arg8: memref<64x64xf32, #tpu.memory_space<vmem>>, %arg9: memref<64x64xf32, #tpu.memory_space<vmem>>, %arg10: memref<1x256x128xf32, #tpu.memory_space<vmem>>, %arg11: memref<1x256x64xf32, #tpu.memory_space<vmem>>, %arg12: memref<1x256x16xi32, #tpu.memory_space<vmem>>) attributes {dimension_semantics = [#tpu.dimension_semantics<arbitrary>, #tpu.dimension_semantics<arbitrary>], iteration_bounds = array<i64: 1, 16>, scalar_prefetch = 0 : i64, scratch_operands = 0 : i64, tpu.core_type = #tpu.core_type<tc>, window_params = [{transform_indices = @transform_0, window_bounds = array<i64: 1, 8, 4096>}, {transform_indices = @transform_1, window_bounds = array<i64: 1, 256, 8>}, {transform_indices = @transform_2, window_bounds = array<i64: 1, 256, 64>}, {pipeline_mode = #tpu.pipeline_mode<synchronous>, transform_indices = @transform_3, window_bounds = array<i64: 64, 192>}, {pipeline_mode = #tpu.pipeline_mode<synchronous>, transform_indices = @transform_4, window_bounds = array<i64: 3, 64>}, {pipeline_mode = #tpu.pipeline_mode<synchronous>, transform_indices = @transform_5, window_bounds = array<i64: 64, 64>}, {pipeline_mode = #tpu.pipeline_mode<synchronous>, transform_indices = @transform_6, window_bounds = array<i64: 64, 64>}, {pipeline_mode = #tpu.pipeline_mode<synchronous>, transform_indices = @transform_7, window_bounds = array<i64: 64, 64>}, {transform_indices = @transform_8, window_bounds = array<i64: 1, 256, 128>}, {transform_indices = @transform_9, window_bounds = array<i64: 1, 256, 64>}, {transform_indices = @transform_10, window_bounds = array<i64: 1, 256, 16>}]} {
    %get3A = arith.constant 0 : index
    %get3A_0 = arith.constant 0 : index
    %get3A_1 = arith.constant 0 : index
    %get3A_2 = vector.load %arg4[%get3A, %get3A_0, %get3A_1] : memref<1x256x64xf32, #tpu.memory_space<vmem>>, vector<1x256x64xf32>
    %get3A_3 = vector.shape_cast %get3A_2 : vector<1x256x64xf32> to vector<256x64xf32>
    %get3A_4 = arith.constant 0 : index
    %get3A_5 = arith.constant 0 : index
    %get3A_6 = vector.load %arg5[%get3A_4, %get3A_5] : memref<64x192xf32, #tpu.memory_space<vmem>>, vector<64x192xf32>
    %dot_general3A = arith.constant dense<0.000000e+00> : vector<256x192xf32>
    %dot_general3A_7 = tpu.matmul %get3A_3, %get3A_6, %dot_general3A {dimension_numbers = #tpu.dot_dimension_numbers<[1], [0], [0], [1], [0, 0, 1, 1], [], []>, transpose_lhs_hint = false} : vector<256x64xf32>, vector<64x192xf32>, vector<256x192xf32> -> vector<256x192xf32>
    %slice3A = vector.extract_strided_slice %dot_general3A_7 {offsets = [0, 0], sizes = [256, 64], strides = [1, 1]} : vector<256x192xf32> to vector<256x64xf32>
    %slice3A_8 = vector.extract_strided_slice %dot_general3A_7 {offsets = [0, 64], sizes = [256, 64], strides = [1, 1]} : vector<256x192xf32> to vector<256x64xf32>
    %slice3A_9 = vector.extract_strided_slice %dot_general3A_7 {offsets = [0, 128], sizes = [256, 64], strides = [1, 1]} : vector<256x192xf32> to vector<256x64xf32>
    %get3A_10 = arith.constant 0 : index
    %get3A_11 = arith.constant 0 : index
    %get3A_12 = vector.load %arg8[%get3A_10, %get3A_11] : memref<64x64xf32, #tpu.memory_space<vmem>>, vector<64x64xf32>
    %get3A_13 = arith.constant 0 : index
    %get3A_14 = arith.constant 0 : index
    %get3A_15 = vector.load %arg9[%get3A_13, %get3A_14] : memref<64x64xf32, #tpu.memory_space<vmem>>, vector<64x64xf32>
    %dot_general3A_16 = arith.constant dense<0.000000e+00> : vector<64x64xf32>
    %dot_general3A_17 = tpu.matmul %get3A_12, %get3A_15, %dot_general3A_16 {dimension_numbers = #tpu.dot_dimension_numbers<[1], [0], [0], [1], [0, 0, 1, 1], [], []>, transpose_lhs_hint = false} : vector<64x64xf32>, vector<64x64xf32>, vector<64x64xf32> -> vector<64x64xf32>
    %dot_general3A_18 = arith.constant dense<0.000000e+00> : vector<256x64xf32>
    %dot_general3A_19 = tpu.matmul %slice3A, %dot_general3A_17, %dot_general3A_18 {dimension_numbers = #tpu.dot_dimension_numbers<[1], [0], [0], [1], [0, 0, 1, 1], [], []>, transpose_lhs_hint = false} : vector<256x64xf32>, vector<64x64xf32>, vector<256x64xf32> -> vector<256x64xf32>
    %dot_general3A_20 = arith.constant dense<0.000000e+00> : vector<256x64xf32>
    %dot_general3A_21 = tpu.matmul %slice3A_8, %dot_general3A_17, %dot_general3A_20 {dimension_numbers = #tpu.dot_dimension_numbers<[1], [0], [0], [1], [0, 0, 1, 1], [], []>, transpose_lhs_hint = false} : vector<256x64xf32>, vector<64x64xf32>, vector<256x64xf32> -> vector<256x64xf32>
    %get3A_22 = arith.constant 0 : index
    %get3A_23 = arith.constant 0 : index
    %get3A_24 = arith.constant 0 : index
    %get3A_25 = vector.load %arg3[%get3A_22, %get3A_23, %get3A_24] : memref<1x256x8xf32, #tpu.memory_space<vmem>>, vector<1x256x8xf32>
    %get3A_26 = vector.shape_cast %get3A_25 : vector<1x256x8xf32> to vector<256x8xf32>
    %slice3A_27 = vector.extract_strided_slice %get3A_26 {offsets = [0, 0], sizes = [256, 1], strides = [1, 1]} : vector<256x8xf32> to vector<256x1xf32>
    %get3A_28 = arith.constant 0 : index
    %get3A_29 = arith.constant 0 : index
    %get3A_30 = vector.load %arg6[%get3A_28, %get3A_29] : memref<3x64xf32, #tpu.memory_space<vmem>>, vector<1x64xf32>
    %mul3A = vector.broadcast %slice3A_27 : vector<256x1xf32> to vector<256x64xf32>
    %mul3A_31 = vector.broadcast %get3A_30 : vector<1x64xf32> to vector<256x64xf32>
    %mul3A_32 = arith.mulf %mul3A, %mul3A_31 : vector<256x64xf32>
    %slice3A_33 = vector.extract_strided_slice %get3A_26 {offsets = [0, 1], sizes = [256, 1], strides = [1, 1]} : vector<256x8xf32> to vector<256x1xf32>
    %get3A_34 = arith.constant 1 : index
    %get3A_35 = arith.constant 0 : index
    %get3A_36 = vector.load %arg6[%get3A_34, %get3A_35] : memref<3x64xf32, #tpu.memory_space<vmem>>, vector<1x64xf32>
    %mul3A_37 = vector.broadcast %slice3A_33 : vector<256x1xf32> to vector<256x64xf32>
    %mul3A_38 = vector.broadcast %get3A_36 : vector<1x64xf32> to vector<256x64xf32>
    %mul3A_39 = arith.mulf %mul3A_37, %mul3A_38 : vector<256x64xf32>
    %add3A = arith.addf %mul3A_32, %mul3A_39 : vector<256x64xf32>
    %slice3A_40 = vector.extract_strided_slice %get3A_26 {offsets = [0, 2], sizes = [256, 1], strides = [1, 1]} : vector<256x8xf32> to vector<256x1xf32>
    %get3A_41 = arith.constant 2 : index
    %get3A_42 = arith.constant 0 : index
    %get3A_43 = vector.load %arg6[%get3A_41, %get3A_42] : memref<3x64xf32, #tpu.memory_space<vmem>>, vector<1x64xf32>
    %mul3A_44 = vector.broadcast %slice3A_40 : vector<256x1xf32> to vector<256x64xf32>
    %mul3A_45 = vector.broadcast %get3A_43 : vector<1x64xf32> to vector<256x64xf32>
    %mul3A_46 = arith.mulf %mul3A_44, %mul3A_45 : vector<256x64xf32>
    %add3A_47 = arith.addf %add3A, %mul3A_46 : vector<256x64xf32>
    %get3A_48 = arith.constant 0 : index
    %get3A_49 = arith.constant 0 : index
    %get3A_50 = vector.load %arg7[%get3A_48, %get3A_49] : memref<64x64xf32, #tpu.memory_space<vmem>>, vector<64x64xf32>
    %dot_general3A_51 = arith.constant dense<0.000000e+00> : vector<256x64xf32>
    %dot_general3A_52 = tpu.matmul %add3A_47, %get3A_50, %dot_general3A_51 {dimension_numbers = #tpu.dot_dimension_numbers<[1], [0], [0], [1], [0, 0, 1, 1], [], []>, transpose_lhs_hint = false} : vector<256x64xf32>, vector<64x64xf32>, vector<256x64xf32> -> vector<256x64xf32>
    %convert_element_type3A = arith.truncf %dot_general3A_21 : vector<256x64xf32> to vector<256x64xbf16>
    %convert_element_type3A_53 = arith.extf %convert_element_type3A : vector<256x64xbf16> to vector<256x64xf32>
    %slice3A_54 = vector.extract_strided_slice %convert_element_type3A_53 {offsets = [0, 0], sizes = [256, 32], strides = [1, 1]} : vector<256x64xf32> to vector<256x32xf32>
    %bitcast_convert_type3A = tpu.bitcast %slice3A_54 : vector<256x32xf32> -> vector<256x32xi32>
    %shift_right_logical3A = arith.constant 16 : i32
    %shift_right_logical3A_55 = vector.broadcast %shift_right_logical3A : i32 to vector<256x32xi32>
    %shift_right_logical3A_56 = arith.shrui %bitcast_convert_type3A, %shift_right_logical3A_55 : vector<256x32xi32>
    %slice3A_57 = vector.extract_strided_slice %convert_element_type3A_53 {offsets = [0, 32], sizes = [256, 32], strides = [1, 1]} : vector<256x64xf32> to vector<256x32xf32>
    %bitcast_convert_type3A_58 = tpu.bitcast %slice3A_57 : vector<256x32xf32> -> vector<256x32xi32>
    %or3A = arith.ori %bitcast_convert_type3A_58, %shift_right_logical3A_56 : vector<256x32xi32>
    %bitcast_convert_type3A_59 = tpu.bitcast %or3A : vector<256x32xi32> -> vector<256x32xf32>
    %convert_element_type3A_60 = arith.truncf %slice3A_9 : vector<256x64xf32> to vector<256x64xbf16>
    %convert_element_type3A_61 = arith.extf %convert_element_type3A_60 : vector<256x64xbf16> to vector<256x64xf32>
    %slice3A_62 = vector.extract_strided_slice %convert_element_type3A_61 {offsets = [0, 0], sizes = [256, 32], strides = [1, 1]} : vector<256x64xf32> to vector<256x32xf32>
    %bitcast_convert_type3A_63 = tpu.bitcast %slice3A_62 : vector<256x32xf32> -> vector<256x32xi32>
    %shift_right_logical3A_64 = arith.constant 16 : i32
    %shift_right_logical3A_65 = vector.broadcast %shift_right_logical3A_64 : i32 to vector<256x32xi32>
    %shift_right_logical3A_66 = arith.shrui %bitcast_convert_type3A_63, %shift_right_logical3A_65 : vector<256x32xi32>
    %slice3A_67 = vector.extract_strided_slice %convert_element_type3A_61 {offsets = [0, 32], sizes = [256, 32], strides = [1, 1]} : vector<256x64xf32> to vector<256x32xf32>
    %bitcast_convert_type3A_68 = tpu.bitcast %slice3A_67 : vector<256x32xf32> -> vector<256x32xi32>
    %or3A_69 = arith.ori %bitcast_convert_type3A_68, %shift_right_logical3A_66 : vector<256x32xi32>
    %bitcast_convert_type3A_70 = tpu.bitcast %or3A_69 : vector<256x32xi32> -> vector<256x32xf32>
    %concatenate3A = tpu.concatenate %dot_general3A_52, %bitcast_convert_type3A_59, %bitcast_convert_type3A_70 in 1 : vector<256x64xf32>, vector<256x32xf32>, vector<256x32xf32> -> vector<256x128xf32>
    %swap3A = arith.constant 0 : index
    %swap3A_71 = arith.constant 0 : index
    %swap3A_72 = arith.constant 0 : index
    %swap3A_73 = vector.load %arg10[%swap3A, %swap3A_71, %swap3A_72] : memref<1x256x128xf32, #tpu.memory_space<vmem>>, vector<1x256x128xf32>
    %swap3A_74 = vector.shape_cast %swap3A_73 : vector<1x256x128xf32> to vector<256x128xf32>
    %swap3A_75 = vector.shape_cast %concatenate3A : vector<256x128xf32> to vector<1x256x128xf32>
    tpu.vector_store %arg10[%swap3A, %swap3A_71, %swap3A_72], %swap3A_75 {strides = array<i32>} : memref<1x256x128xf32, #tpu.memory_space<vmem>>, vector<1x256x128xf32>,
    %swap3A_76 = arith.constant 0 : index
    %swap3A_77 = arith.constant 0 : index
    %swap3A_78 = arith.constant 0 : index
    %swap3A_79 = vector.load %arg11[%swap3A_76, %swap3A_77, %swap3A_78] : memref<1x256x64xf32, #tpu.memory_space<vmem>>, vector<1x256x64xf32>
    %swap3A_80 = vector.shape_cast %swap3A_79 : vector<1x256x64xf32> to vector<256x64xf32>
    %swap3A_81 = vector.shape_cast %dot_general3A_19 : vector<256x64xf32> to vector<1x256x64xf32>
    tpu.vector_store %arg11[%swap3A_76, %swap3A_77, %swap3A_78], %swap3A_81 {strides = array<i32>} : memref<1x256x64xf32, #tpu.memory_space<vmem>>, vector<1x256x64xf32>,
    %get3A_82 = arith.constant 0 : index
    %get3A_83 = arith.constant 0 : index
    %get3A_84 = arith.constant 0 : index
    %get3A_85 = vector.load %arg2[%get3A_82, %get3A_83, %get3A_84] : memref<1x8x4096xf32, #tpu.memory_space<vmem>>, vector<1x8x4096xf32>
    %get3A_86 = vector.shape_cast %get3A_85 : vector<1x8x4096xf32> to vector<8x4096xf32>
    %convert_element_type3A_87 = arith.truncf %get3A_26 : vector<256x8xf32> to vector<256x8xbf16>
    %convert_element_type3A_88 = arith.truncf %get3A_86 : vector<8x4096xf32> to vector<8x4096xbf16>
    %dot_general3A_89 = arith.constant dense<0.000000e+00> : vector<256x4096xf32>
    %dot_general3A_90 = tpu.matmul %convert_element_type3A_87, %convert_element_type3A_88, %dot_general3A_89 {dimension_numbers = #tpu.dot_dimension_numbers<[1], [0], [0], [1], [0, 0, 1, 1], [], []>, transpose_lhs_hint = false} : vector<256x8xbf16>, vector<8x4096xbf16>, vector<256x4096xf32> -> vector<256x4096xf32>
    %slice3A_91 = vector.extract_strided_slice %get3A_26 {offsets = [0, 0], sizes = [256, 1], strides = [1, 1]} : vector<256x8xf32> to vector<256x1xf32>
    %slice3A_92 = vector.extract_strided_slice %get3A_26 {offsets = [0, 0], sizes = [256, 1], strides = [1, 1]} : vector<256x8xf32> to vector<256x1xf32>
    %mul3A_93 = arith.mulf %slice3A_91, %slice3A_92 : vector<256x1xf32>
    %slice3A_94 = vector.extract_strided_slice %get3A_26 {offsets = [0, 1], sizes = [256, 1], strides = [1, 1]} : vector<256x8xf32> to vector<256x1xf32>
    %slice3A_95 = vector.extract_strided_slice %get3A_26 {offsets = [0, 1], sizes = [256, 1], strides = [1, 1]} : vector<256x8xf32> to vector<256x1xf32>
    %mul3A_96 = arith.mulf %slice3A_94, %slice3A_95 : vector<256x1xf32>
    %add3A_97 = arith.addf %mul3A_93, %mul3A_96 : vector<256x1xf32>
    %slice3A_98 = vector.extract_strided_slice %get3A_26 {offsets = [0, 2], sizes = [256, 1], strides = [1, 1]} : vector<256x8xf32> to vector<256x1xf32>
    %slice3A_99 = vector.extract_strided_slice %get3A_26 {offsets = [0, 2], sizes = [256, 1], strides = [1, 1]} : vector<256x8xf32> to vector<256x1xf32>
    %mul3A_100 = arith.mulf %slice3A_98, %slice3A_99 : vector<256x1xf32>
    %add3A_101 = arith.addf %add3A_97, %mul3A_100 : vector<256x1xf32>
    %slice3A_102 = vector.extract_strided_slice %get3A_86 {offsets = [0, 0], sizes = [1, 4096], strides = [1, 1]} : vector<8x4096xf32> to vector<1x4096xf32>
    %slice3A_103 = vector.extract_strided_slice %get3A_86 {offsets = [0, 0], sizes = [1, 4096], strides = [1, 1]} : vector<8x4096xf32> to vector<1x4096xf32>
    %mul3A_104 = arith.mulf %slice3A_102, %slice3A_103 : vector<1x4096xf32>
    %slice3A_105 = vector.extract_strided_slice %get3A_86 {offsets = [1, 0], sizes = [1, 4096], strides = [1, 1]} : vector<8x4096xf32> to vector<1x4096xf32>
    %slice3A_106 = vector.extract_strided_slice %get3A_86 {offsets = [1, 0], sizes = [1, 4096], strides = [1, 1]} : vector<8x4096xf32> to vector<1x4096xf32>
    %mul3A_107 = arith.mulf %slice3A_105, %slice3A_106 : vector<1x4096xf32>
    %add3A_108 = arith.addf %mul3A_104, %mul3A_107 : vector<1x4096xf32>
    %slice3A_109 = vector.extract_strided_slice %get3A_86 {offsets = [2, 0], sizes = [1, 4096], strides = [1, 1]} : vector<8x4096xf32> to vector<1x4096xf32>
    %slice3A_110 = vector.extract_strided_slice %get3A_86 {offsets = [2, 0], sizes = [1, 4096], strides = [1, 1]} : vector<8x4096xf32> to vector<1x4096xf32>
    %mul3A_111 = arith.mulf %slice3A_109, %slice3A_110 : vector<1x4096xf32>
    %add3A_112 = arith.addf %add3A_108, %mul3A_111 : vector<1x4096xf32>
    %mul3A_113 = arith.constant 2.000000e+00 : f32
    %mul3A_114 = vector.broadcast %mul3A_113 : f32 to vector<256x4096xf32>
    %mul3A_115 = arith.mulf %mul3A_114, %dot_general3A_90 : vector<256x4096xf32>
    %sub3A = vector.broadcast %add3A_101 : vector<256x1xf32> to vector<256x4096xf32>
    %sub3A_116 = arith.subf %sub3A, %mul3A_115 : vector<256x4096xf32>
    %add3A_117 = vector.broadcast %add3A_112 : vector<1x4096xf32> to vector<256x4096xf32>
    %add3A_118 = arith.addf %sub3A_116, %add3A_117 : vector<256x4096xf32>
    %iota3A = tpu.iota {dimensions = array<i32: 1>} : vector<256x4096xi32>
    %argmin3A = tpu.reduce_index %add3A_118 {axis = 1 : i32, kind = #tpu.reduction_kind<arg_min>} : vector<256x4096xf32> -> vector<256xi32>
    %broadcast_in_dim3A = vector.shape_cast %argmin3A : vector<256xi32> to vector<256x1xi32>
    %eq3A = vector.broadcast %broadcast_in_dim3A : vector<256x1xi32> to vector<256x4096xi32>
    %eq3A_119 = arith.cmpi eq, %iota3A, %eq3A : vector<256x4096xi32>
    %jit3A = arith.constant 0x7F800000 : f32
    %broadcast_in_dim3A_120 = vector.broadcast %jit3A : f32 to vector<256x4096xf32>
    %select_n3A = arith.select %eq3A_119, %broadcast_in_dim3A_120, %add3A_118 : vector<256x4096xi1>, vector<256x4096xf32>
    %argmin3A_121 = tpu.reduce_index %select_n3A {axis = 1 : i32, kind = #tpu.reduction_kind<arg_min>} : vector<256x4096xf32> -> vector<256xi32>
    %broadcast_in_dim3A_122 = vector.shape_cast %argmin3A_121 : vector<256xi32> to vector<256x1xi32>
    %eq3A_123 = vector.broadcast %broadcast_in_dim3A_122 : vector<256x1xi32> to vector<256x4096xi32>
    %eq3A_124 = arith.cmpi eq, %iota3A, %eq3A_123 : vector<256x4096xi32>
    %jit3A_125 = arith.constant 0x7F800000 : f32
    %broadcast_in_dim3A_126 = vector.broadcast %jit3A_125 : f32 to vector<256x4096xf32>
    %select_n3A_127 = arith.select %eq3A_124, %broadcast_in_dim3A_126, %select_n3A : vector<256x4096xi1>, vector<256x4096xf32>
    %argmin3A_128 = tpu.reduce_index %select_n3A_127 {axis = 1 : i32, kind = #tpu.reduction_kind<arg_min>} : vector<256x4096xf32> -> vector<256xi32>
    %broadcast_in_dim3A_129 = vector.shape_cast %argmin3A_128 : vector<256xi32> to vector<256x1xi32>
    %eq3A_130 = vector.broadcast %broadcast_in_dim3A_129 : vector<256x1xi32> to vector<256x4096xi32>
    %eq3A_131 = arith.cmpi eq, %iota3A, %eq3A_130 : vector<256x4096xi32>
    %jit3A_132 = arith.constant 0x7F800000 : f32
    %broadcast_in_dim3A_133 = vector.broadcast %jit3A_132 : f32 to vector<256x4096xf32>
    %select_n3A_134 = arith.select %eq3A_131, %broadcast_in_dim3A_133, %select_n3A_127 : vector<256x4096xi1>, vector<256x4096xf32>
    %argmin3A_135 = tpu.reduce_index %select_n3A_134 {axis = 1 : i32, kind = #tpu.reduction_kind<arg_min>} : vector<256x4096xf32> -> vector<256xi32>
    %broadcast_in_dim3A_136 = vector.shape_cast %argmin3A_135 : vector<256xi32> to vector<256x1xi32>
    %eq3A_137 = vector.broadcast %broadcast_in_dim3A_136 : vector<256x1xi32> to vector<256x4096xi32>
    %eq3A_138 = arith.cmpi eq, %iota3A, %eq3A_137 : vector<256x4096xi32>
    %jit3A_139 = arith.constant 0x7F800000 : f32
    %broadcast_in_dim3A_140 = vector.broadcast %jit3A_139 : f32 to vector<256x4096xf32>
    %select_n3A_141 = arith.select %eq3A_138, %broadcast_in_dim3A_140, %select_n3A_134 : vector<256x4096xi1>, vector<256x4096xf32>
    %argmin3A_142 = tpu.reduce_index %select_n3A_141 {axis = 1 : i32, kind = #tpu.reduction_kind<arg_min>} : vector<256x4096xf32> -> vector<256xi32>
    %broadcast_in_dim3A_143 = vector.shape_cast %argmin3A_142 : vector<256xi32> to vector<256x1xi32>
    %eq3A_144 = vector.broadcast %broadcast_in_dim3A_143 : vector<256x1xi32> to vector<256x4096xi32>
    %eq3A_145 = arith.cmpi eq, %iota3A, %eq3A_144 : vector<256x4096xi32>
    %jit3A_146 = arith.constant 0x7F800000 : f32
    %broadcast_in_dim3A_147 = vector.broadcast %jit3A_146 : f32 to vector<256x4096xf32>
    %select_n3A_148 = arith.select %eq3A_145, %broadcast_in_dim3A_147, %select_n3A_141 : vector<256x4096xi1>, vector<256x4096xf32>
    %argmin3A_149 = tpu.reduce_index %select_n3A_148 {axis = 1 : i32, kind = #tpu.reduction_kind<arg_min>} : vector<256x4096xf32> -> vector<256xi32>
    %broadcast_in_dim3A_150 = vector.shape_cast %argmin3A_149 : vector<256xi32> to vector<256x1xi32>
    %eq3A_151 = vector.broadcast %broadcast_in_dim3A_150 : vector<256x1xi32> to vector<256x4096xi32>
    %eq3A_152 = arith.cmpi eq, %iota3A, %eq3A_151 : vector<256x4096xi32>
    %jit3A_153 = arith.constant 0x7F800000 : f32
    %broadcast_in_dim3A_154 = vector.broadcast %jit3A_153 : f32 to vector<256x4096xf32>
    %select_n3A_155 = arith.select %eq3A_152, %broadcast_in_dim3A_154, %select_n3A_148 : vector<256x4096xi1>, vector<256x4096xf32>
    %argmin3A_156 = tpu.reduce_index %select_n3A_155 {axis = 1 : i32, kind = #tpu.reduction_kind<arg_min>} : vector<256x4096xf32> -> vector<256xi32>
    %broadcast_in_dim3A_157 = vector.shape_cast %argmin3A_156 : vector<256xi32> to vector<256x1xi32>
    %eq3A_158 = vector.broadcast %broadcast_in_dim3A_157 : vector<256x1xi32> to vector<256x4096xi32>
    %eq3A_159 = arith.cmpi eq, %iota3A, %eq3A_158 : vector<256x4096xi32>
    %jit3A_160 = arith.constant 0x7F800000 : f32
    %broadcast_in_dim3A_161 = vector.broadcast %jit3A_160 : f32 to vector<256x4096xf32>
    %select_n3A_162 = arith.select %eq3A_159, %broadcast_in_dim3A_161, %select_n3A_155 : vector<256x4096xi1>, vector<256x4096xf32>
    %argmin3A_163 = tpu.reduce_index %select_n3A_162 {axis = 1 : i32, kind = #tpu.reduction_kind<arg_min>} : vector<256x4096xf32> -> vector<256xi32>
    %broadcast_in_dim3A_164 = vector.shape_cast %argmin3A_163 : vector<256xi32> to vector<256x1xi32>
    %eq3A_165 = vector.broadcast %broadcast_in_dim3A_164 : vector<256x1xi32> to vector<256x4096xi32>
    %eq3A_166 = arith.cmpi eq, %iota3A, %eq3A_165 : vector<256x4096xi32>
    %jit3A_167 = arith.constant 0x7F800000 : f32
    %broadcast_in_dim3A_168 = vector.broadcast %jit3A_167 : f32 to vector<256x4096xf32>
    %select_n3A_169 = arith.select %eq3A_166, %broadcast_in_dim3A_168, %select_n3A_162 : vector<256x4096xi1>, vector<256x4096xf32>
    %argmin3A_170 = tpu.reduce_index %select_n3A_169 {axis = 1 : i32, kind = #tpu.reduction_kind<arg_min>} : vector<256x4096xf32> -> vector<256xi32>
    %broadcast_in_dim3A_171 = vector.shape_cast %argmin3A_170 : vector<256xi32> to vector<256x1xi32>
    %eq3A_172 = vector.broadcast %broadcast_in_dim3A_171 : vector<256x1xi32> to vector<256x4096xi32>
    %eq3A_173 = arith.cmpi eq, %iota3A, %eq3A_172 : vector<256x4096xi32>
    %jit3A_174 = arith.constant 0x7F800000 : f32
    %broadcast_in_dim3A_175 = vector.broadcast %jit3A_174 : f32 to vector<256x4096xf32>
    %select_n3A_176 = arith.select %eq3A_173, %broadcast_in_dim3A_175, %select_n3A_169 : vector<256x4096xi1>, vector<256x4096xf32>
    %argmin3A_177 = tpu.reduce_index %select_n3A_176 {axis = 1 : i32, kind = #tpu.reduction_kind<arg_min>} : vector<256x4096xf32> -> vector<256xi32>
    %broadcast_in_dim3A_178 = vector.shape_cast %argmin3A_177 : vector<256xi32> to vector<256x1xi32>
    %eq3A_179 = vector.broadcast %broadcast_in_dim3A_178 : vector<256x1xi32> to vector<256x4096xi32>
    %eq3A_180 = arith.cmpi eq, %iota3A, %eq3A_179 : vector<256x4096xi32>
    %jit3A_181 = arith.constant 0x7F800000 : f32
    %broadcast_in_dim3A_182 = vector.broadcast %jit3A_181 : f32 to vector<256x4096xf32>
    %select_n3A_183 = arith.select %eq3A_180, %broadcast_in_dim3A_182, %select_n3A_176 : vector<256x4096xi1>, vector<256x4096xf32>
    %argmin3A_184 = tpu.reduce_index %select_n3A_183 {axis = 1 : i32, kind = #tpu.reduction_kind<arg_min>} : vector<256x4096xf32> -> vector<256xi32>
    %broadcast_in_dim3A_185 = vector.shape_cast %argmin3A_184 : vector<256xi32> to vector<256x1xi32>
    %eq3A_186 = vector.broadcast %broadcast_in_dim3A_185 : vector<256x1xi32> to vector<256x4096xi32>
    %eq3A_187 = arith.cmpi eq, %iota3A, %eq3A_186 : vector<256x4096xi32>
    %jit3A_188 = arith.constant 0x7F800000 : f32
    %broadcast_in_dim3A_189 = vector.broadcast %jit3A_188 : f32 to vector<256x4096xf32>
    %select_n3A_190 = arith.select %eq3A_187, %broadcast_in_dim3A_189, %select_n3A_183 : vector<256x4096xi1>, vector<256x4096xf32>
    %argmin3A_191 = tpu.reduce_index %select_n3A_190 {axis = 1 : i32, kind = #tpu.reduction_kind<arg_min>} : vector<256x4096xf32> -> vector<256xi32>
    %broadcast_in_dim3A_192 = vector.shape_cast %argmin3A_191 : vector<256xi32> to vector<256x1xi32>
    %eq3A_193 = vector.broadcast %broadcast_in_dim3A_192 : vector<256x1xi32> to vector<256x4096xi32>
    %eq3A_194 = arith.cmpi eq, %iota3A, %eq3A_193 : vector<256x4096xi32>
    %jit3A_195 = arith.constant 0x7F800000 : f32
    %broadcast_in_dim3A_196 = vector.broadcast %jit3A_195 : f32 to vector<256x4096xf32>
    %select_n3A_197 = arith.select %eq3A_194, %broadcast_in_dim3A_196, %select_n3A_190 : vector<256x4096xi1>, vector<256x4096xf32>
    %argmin3A_198 = tpu.reduce_index %select_n3A_197 {axis = 1 : i32, kind = #tpu.reduction_kind<arg_min>} : vector<256x4096xf32> -> vector<256xi32>
    %broadcast_in_dim3A_199 = vector.shape_cast %argmin3A_198 : vector<256xi32> to vector<256x1xi32>
    %eq3A_200 = vector.broadcast %broadcast_in_dim3A_199 : vector<256x1xi32> to vector<256x4096xi32>
    %eq3A_201 = arith.cmpi eq, %iota3A, %eq3A_200 : vector<256x4096xi32>
    %jit3A_202 = arith.constant 0x7F800000 : f32
    %broadcast_in_dim3A_203 = vector.broadcast %jit3A_202 : f32 to vector<256x4096xf32>
    %select_n3A_204 = arith.select %eq3A_201, %broadcast_in_dim3A_203, %select_n3A_197 : vector<256x4096xi1>, vector<256x4096xf32>
    %argmin3A_205 = tpu.reduce_index %select_n3A_204 {axis = 1 : i32, kind = #tpu.reduction_kind<arg_min>} : vector<256x4096xf32> -> vector<256xi32>
    %broadcast_in_dim3A_206 = vector.shape_cast %argmin3A_205 : vector<256xi32> to vector<256x1xi32>
    %eq3A_207 = vector.broadcast %broadcast_in_dim3A_206 : vector<256x1xi32> to vector<256x4096xi32>
    %eq3A_208 = arith.cmpi eq, %iota3A, %eq3A_207 : vector<256x4096xi32>
    %jit3A_209 = arith.constant 0x7F800000 : f32
    %broadcast_in_dim3A_210 = vector.broadcast %jit3A_209 : f32 to vector<256x4096xf32>
    %select_n3A_211 = arith.select %eq3A_208, %broadcast_in_dim3A_210, %select_n3A_204 : vector<256x4096xi1>, vector<256x4096xf32>
    %argmin3A_212 = tpu.reduce_index %select_n3A_211 {axis = 1 : i32, kind = #tpu.reduction_kind<arg_min>} : vector<256x4096xf32> -> vector<256xi32>
    %broadcast_in_dim3A_213 = vector.shape_cast %argmin3A_212 : vector<256xi32> to vector<256x1xi32>
    %eq3A_214 = vector.broadcast %broadcast_in_dim3A_213 : vector<256x1xi32> to vector<256x4096xi32>
    %eq3A_215 = arith.cmpi eq, %iota3A, %eq3A_214 : vector<256x4096xi32>
    %jit3A_216 = arith.constant 0x7F800000 : f32
    %broadcast_in_dim3A_217 = vector.broadcast %jit3A_216 : f32 to vector<256x4096xf32>
    %select_n3A_218 = arith.select %eq3A_215, %broadcast_in_dim3A_217, %select_n3A_211 : vector<256x4096xi1>, vector<256x4096xf32>
    %argmin3A_219 = tpu.reduce_index %select_n3A_218 {axis = 1 : i32, kind = #tpu.reduction_kind<arg_min>} : vector<256x4096xf32> -> vector<256xi32>
    %broadcast_in_dim3A_220 = vector.shape_cast %argmin3A_219 : vector<256xi32> to vector<256x1xi32>
    %concatenate3A_221 = tpu.concatenate %broadcast_in_dim3A, %broadcast_in_dim3A_122, %broadcast_in_dim3A_129, %broadcast_in_dim3A_136, %broadcast_in_dim3A_143, %broadcast_in_dim3A_150, %broadcast_in_dim3A_157, %broadcast_in_dim3A_164, %broadcast_in_dim3A_171, %broadcast_in_dim3A_178, %broadcast_in_dim3A_185, %broadcast_in_dim3A_192, %broadcast_in_dim3A_199, %broadcast_in_dim3A_206, %broadcast_in_dim3A_213, %broadcast_in_dim3A_220 in 1 : vector<256x1xi32>, vector<256x1xi32>, vector<256x1xi32>, vector<256x1xi32>, vector<256x1xi32>, vector<256x1xi32>, vector<256x1xi32>, vector<256x1xi32>, vector<256x1xi32>, vector<256x1xi32>, vector<256x1xi32>, vector<256x1xi32>, vector<256x1xi32>, vector<256x1xi32>, vector<256x1xi32>, vector<256x1xi32> -> vector<256x16xi32>
    %mul3A_222 = arith.constant 4096 : i32
    %mul3A_223 = arith.muli %arg0, %mul3A_222 : i32
    %add3A_224 = vector.broadcast %mul3A_223 : i32 to vector<256x16xi32>
    %add3A_225 = arith.addi %concatenate3A_221, %add3A_224 : vector<256x16xi32>
    %swap3A_226 = arith.constant 0 : index
    %swap3A_227 = arith.constant 0 : index
    %swap3A_228 = arith.constant 0 : index
    %swap3A_229 = vector.load %arg12[%swap3A_226, %swap3A_227, %swap3A_228] : memref<1x256x16xi32, #tpu.memory_space<vmem>>, vector<1x256x16xi32>
    %swap3A_230 = vector.shape_cast %swap3A_229 : vector<1x256x16xi32> to vector<256x16xi32>
    %swap3A_231 = vector.shape_cast %add3A_225 : vector<256x16xi32> to vector<1x256x16xi32>
    tpu.vector_store %arg12[%swap3A_226, %swap3A_227, %swap3A_228], %swap3A_231 {strides = array<i32>} : memref<1x256x16xi32, #tpu.memory_space<vmem>>, vector<1x256x16xi32>,
    return
  }
  func.func @transform_0(%arg0: i32, %arg1: i32) -> (i32, i32, i32) {
    %c0_i32 = arith.constant 0 : i32
    %c0_i32_0 = arith.constant 0 : i32
    %c0_i32_1 = arith.constant 0 : i32
    return %arg0, %c0_i32, %c0_i32_0 : i32, i32, i32
  }
  func.func @transform_1(%arg0: i32, %arg1: i32) -> (i32, i32, i32) {
    %c0_i32 = arith.constant 0 : i32
    %c0_i32_0 = arith.constant 0 : i32
    return %arg0, %arg1, %c0_i32 : i32, i32, i32
  }
  func.func @transform_2(%arg0: i32, %arg1: i32) -> (i32, i32, i32) {
    %c0_i32 = arith.constant 0 : i32
    %c0_i32_0 = arith.constant 0 : i32
    return %arg0, %arg1, %c0_i32 : i32, i32, i32
  }
  func.func @transform_3(%arg0: i32, %arg1: i32) -> (i32, i32) {
    %c0_i32 = arith.constant 0 : i32
    %c0_i32_0 = arith.constant 0 : i32
    %c0_i32_1 = arith.constant 0 : i32
    return %c0_i32, %c0_i32_0 : i32, i32
  }
  func.func @transform_4(%arg0: i32, %arg1: i32) -> (i32, i32) {
    %c0_i32 = arith.constant 0 : i32
    %c0_i32_0 = arith.constant 0 : i32
    %c0_i32_1 = arith.constant 0 : i32
    return %c0_i32, %c0_i32_0 : i32, i32
  }
  func.func @transform_5(%arg0: i32, %arg1: i32) -> (i32, i32) {
    %c0_i32 = arith.constant 0 : i32
    %c0_i32_0 = arith.constant 0 : i32
    %c0_i32_1 = arith.constant 0 : i32
    return %c0_i32, %c0_i32_0 : i32, i32
  }
  func.func @transform_6(%arg0: i32, %arg1: i32) -> (i32, i32) {
    %c0_i32 = arith.constant 0 : i32
    %c0_i32_0 = arith.constant 0 : i32
    %c0_i32_1 = arith.constant 0 : i32
    return %c0_i32, %c0_i32_0 : i32, i32
  }
  func.func @transform_7(%arg0: i32, %arg1: i32) -> (i32, i32) {
    %c0_i32 = arith.constant 0 : i32
    %c0_i32_0 = arith.constant 0 : i32
    %c0_i32_1 = arith.constant 0 : i32
    return %c0_i32, %c0_i32_0 : i32, i32
  }
  func.func @transform_8(%arg0: i32, %arg1: i32) -> (i32, i32, i32) {
    %c0_i32 = arith.constant 0 : i32
    %c0_i32_0 = arith.constant 0 : i32
    return %arg0, %arg1, %c0_i32 : i32, i32, i32
  }
  func.func @transform_9(%arg0: i32, %arg1: i32) -> (i32, i32, i32) {
    %c0_i32 = arith.constant 0 : i32
    %c0_i32_0 = arith.constant 0 : i32
    return %arg0, %arg1, %c0_i32 : i32, i32, i32
  }
  func.func @transform_10(%arg0: i32, %arg1: i32) -> (i32, i32, i32) {
    %c0_i32 = arith.constant 0 : i32
    %c0_i32_0 = arith.constant 0 : i32
    return %arg0, %arg1, %c0_i32 : i32, i32, i32
  }
}

module attributes {stable_mosaic.version = 14 : i64} {
  func.func @stage_c_body(%arg0: i32, %arg1: i32, %arg2: memref<1x256x16x128xf32, #tpu.memory_space<vmem>>, %arg3: memref<1x256x128xf32, #tpu.memory_space<vmem>>, %arg4: memref<1x256x64xf32, #tpu.memory_space<vmem>>, %arg5: memref<64x64xf32, #tpu.memory_space<vmem>>, %arg6: memref<64x64xf32, #tpu.memory_space<vmem>>, %arg7: memref<1x256x64xf32, #tpu.memory_space<vmem>>) attributes {dimension_semantics = [#tpu.dimension_semantics<arbitrary>, #tpu.dimension_semantics<arbitrary>], iteration_bounds = array<i64: 1, 16>, scalar_prefetch = 0 : i64, scratch_operands = 0 : i64, tpu.core_type = #tpu.core_type<tc>, window_params = [{transform_indices = @transform_0, window_bounds = array<i64: 1, 256, 16, 128>}, {transform_indices = @transform_1, window_bounds = array<i64: 1, 256, 128>}, {transform_indices = @transform_2, window_bounds = array<i64: 1, 256, 64>}, {pipeline_mode = #tpu.pipeline_mode<synchronous>, transform_indices = @transform_3, window_bounds = array<i64: 64, 64>}, {pipeline_mode = #tpu.pipeline_mode<synchronous>, transform_indices = @transform_4, window_bounds = array<i64: 64, 64>}, {transform_indices = @transform_5, window_bounds = array<i64: 1, 256, 64>}]} {
    %get3A = arith.constant 0 : index
    %get3A_0 = arith.constant 0 : index
    %get3A_1 = vector.load %arg5[%get3A, %get3A_0] : memref<64x64xf32, #tpu.memory_space<vmem>>, vector<64x64xf32>
    %get3A_2 = arith.constant 0 : index
    %get3A_3 = arith.constant 0 : index
    %get3A_4 = vector.load %arg6[%get3A_2, %get3A_3] : memref<64x64xf32, #tpu.memory_space<vmem>>, vector<64x64xf32>
    %dot_general3A = arith.constant dense<0.000000e+00> : vector<64x64xf32>
    %dot_general3A_5 = tpu.matmul %get3A_1, %get3A_4, %dot_general3A {dimension_numbers = #tpu.dot_dimension_numbers<[1], [0], [0], [1], [0, 0, 1, 1], [], []>, transpose_lhs_hint = false} : vector<64x64xf32>, vector<64x64xf32>, vector<64x64xf32> -> vector<64x64xf32>
    %get3A_6 = arith.constant 0 : index
    %get3A_7 = arith.constant 0 : index
    %get3A_8 = arith.constant 0 : index
    %get3A_9 = vector.load %arg3[%get3A_6, %get3A_7, %get3A_8] : memref<1x256x128xf32, #tpu.memory_space<vmem>>, vector<1x256x128xf32>
    %get3A_10 = vector.shape_cast %get3A_9 : vector<1x256x128xf32> to vector<256x128xf32>
    %slice3A = vector.extract_strided_slice %get3A_10 {offsets = [0, 0], sizes = [256, 64], strides = [1, 1]} : vector<256x128xf32> to vector<256x64xf32>
    %get3A_11 = arith.constant 0 : index
    %get3A_12 = arith.constant 0 : index
    %get3A_13 = arith.constant 0 : index
    %get3A_14 = vector.load %arg4[%get3A_11, %get3A_12, %get3A_13] : memref<1x256x64xf32, #tpu.memory_space<vmem>>, vector<1x256x64xf32>
    %get3A_15 = vector.shape_cast %get3A_14 : vector<1x256x64xf32> to vector<256x64xf32>
    %get3A_16 = arith.constant 0 : index
    %get3A_17 = arith.constant 0 : index
    %get3A_18 = arith.constant 0 : index
    %get3A_19 = arith.constant 0 : index
    %get3A_20 = vector.load %arg2[%get3A_16, %get3A_17, %get3A_18, %get3A_19] : memref<1x256x16x128xf32, #tpu.memory_space<vmem>>, vector<1x256x16x128xf32>
    %get3A_21 = vector.shape_cast %get3A_20 : vector<1x256x16x128xf32> to vector<256x16x128xf32>
    %slice3A_22 = vector.extract_strided_slice %get3A_21 {offsets = [0, 0, 0], sizes = [256, 16, 64], strides = [1, 1, 1]} : vector<256x16x128xf32> to vector<256x16x64xf32>
    %slice3A_23 = vector.extract_strided_slice %get3A_21 {offsets = [0, 0, 64], sizes = [256, 16, 32], strides = [1, 1, 1]} : vector<256x16x128xf32> to vector<256x16x32xf32>
    %bitcast_convert_type3A = tpu.bitcast %slice3A_23 : vector<256x16x32xf32> -> vector<256x16x32xi32>
    %shift_left3A = arith.constant 16 : i32
    %shift_left3A_24 = vector.broadcast %shift_left3A : i32 to vector<256x16x32xi32>
    %shift_left3A_25 = arith.shli %bitcast_convert_type3A, %shift_left3A_24 : vector<256x16x32xi32>
    %bitcast_convert_type3A_26 = tpu.bitcast %shift_left3A_25 : vector<256x16x32xi32> -> vector<256x16x32xf32>
    %and3A = arith.constant -65536 : i32
    %and3A_27 = vector.broadcast %and3A : i32 to vector<256x16x32xi32>
    %and3A_28 = arith.andi %bitcast_convert_type3A, %and3A_27 : vector<256x16x32xi32>
    %bitcast_convert_type3A_29 = tpu.bitcast %and3A_28 : vector<256x16x32xi32> -> vector<256x16x32xf32>
    %concatenate3A = tpu.concatenate %bitcast_convert_type3A_26, %bitcast_convert_type3A_29 in 2 : vector<256x16x32xf32>, vector<256x16x32xf32> -> vector<256x16x64xf32>
    %slice3A_30 = vector.extract_strided_slice %get3A_21 {offsets = [0, 0, 96], sizes = [256, 16, 32], strides = [1, 1, 1]} : vector<256x16x128xf32> to vector<256x16x32xf32>
    %bitcast_convert_type3A_31 = tpu.bitcast %slice3A_30 : vector<256x16x32xf32> -> vector<256x16x32xi32>
    %shift_left3A_32 = arith.constant 16 : i32
    %shift_left3A_33 = vector.broadcast %shift_left3A_32 : i32 to vector<256x16x32xi32>
    %shift_left3A_34 = arith.shli %bitcast_convert_type3A_31, %shift_left3A_33 : vector<256x16x32xi32>
    %bitcast_convert_type3A_35 = tpu.bitcast %shift_left3A_34 : vector<256x16x32xi32> -> vector<256x16x32xf32>
    %and3A_36 = arith.constant -65536 : i32
    %and3A_37 = vector.broadcast %and3A_36 : i32 to vector<256x16x32xi32>
    %and3A_38 = arith.andi %bitcast_convert_type3A_31, %and3A_37 : vector<256x16x32xi32>
    %bitcast_convert_type3A_39 = tpu.bitcast %and3A_38 : vector<256x16x32xi32> -> vector<256x16x32xf32>
    %concatenate3A_40 = tpu.concatenate %bitcast_convert_type3A_35, %bitcast_convert_type3A_39 in 2 : vector<256x16x32xf32>, vector<256x16x32xf32> -> vector<256x16x64xf32>
    %broadcast_in_dim3A = vector.shape_cast %slice3A : vector<256x64xf32> to vector<256x1x64xf32>
    %broadcast_in_dim3A_41 = vector.shape_cast %broadcast_in_dim3A : vector<256x1x64xf32> to vector<256x1x64xf32>
    %broadcast_in_dim3A_42 = vector.broadcast %broadcast_in_dim3A_41 : vector<256x1x64xf32> to vector<256x16x64xf32>
    %broadcast_in_dim3A_43 = vector.shape_cast %get3A_15 : vector<256x64xf32> to vector<256x1x64xf32>
    %broadcast_in_dim3A_44 = vector.shape_cast %broadcast_in_dim3A_43 : vector<256x1x64xf32> to vector<256x1x64xf32>
    %broadcast_in_dim3A_45 = vector.broadcast %broadcast_in_dim3A_44 : vector<256x1x64xf32> to vector<256x16x64xf32>
    %sub3A = arith.subf %broadcast_in_dim3A_42, %slice3A_22 : vector<256x16x64xf32>
    %max3A = arith.constant 0.000000e+00 : f32
    %max3A_46 = vector.broadcast %max3A : f32 to vector<256x16x64xf32>
    %max3A_47 = arith.maximumf %sub3A, %max3A_46 : vector<256x16x64xf32>
    %reshape3A = vector.shape_cast %max3A_47 : vector<256x16x64xf32> to vector<4096x64xf32>
    %dot_general3A_48 = arith.constant dense<0.000000e+00> : vector<4096x64xf32>
    %dot_general3A_49 = tpu.matmul %reshape3A, %dot_general3A_5, %dot_general3A_48 {dimension_numbers = #tpu.dot_dimension_numbers<[1], [0], [0], [1], [0, 0, 1, 1], [], []>, transpose_lhs_hint = false} : vector<4096x64xf32>, vector<64x64xf32>, vector<4096x64xf32> -> vector<4096x64xf32>
    %reshape3A_50 = vector.shape_cast %dot_general3A_49 : vector<4096x64xf32> to vector<256x16x64xf32>
    %sub3A_51 = arith.subf %broadcast_in_dim3A_45, %concatenate3A : vector<256x16x64xf32>
    %add3A = arith.addf %sub3A_51, %reshape3A_50 : vector<256x16x64xf32>
    %max3A_52 = arith.constant 0.000000e+00 : f32
    %max3A_53 = vector.broadcast %max3A_52 : f32 to vector<256x16x64xf32>
    %max3A_54 = arith.maximumf %add3A, %max3A_53 : vector<256x16x64xf32>
    %reduce_max3A = arith.constant dense<0xFF800000> : vector<256x64xf32>
    %reduce_max3A_55 = vector.multi_reduction <maximumf>, %max3A_54, %reduce_max3A [1] : vector<256x16x64xf32> to vector<256x64xf32>
    %broadcast_in_dim3A_56 = vector.shape_cast %reduce_max3A_55 : vector<256x64xf32> to vector<256x1x64xf32>
    %sub3A_57 = vector.broadcast %broadcast_in_dim3A_56 : vector<256x1x64xf32> to vector<256x16x64xf32>
    %sub3A_58 = arith.subf %max3A_54, %sub3A_57 : vector<256x16x64xf32>
    %exp3A = math.exp %sub3A_58 : vector<256x16x64xf32>
    %reduce_sum3A = arith.constant dense<0.000000e+00> : vector<256x64xf32>
    %reduce_sum3A_59 = vector.multi_reduction <add>, %exp3A, %reduce_sum3A [1] : vector<256x16x64xf32> to vector<256x64xf32>
    %add3A_60 = arith.addf %concatenate3A_40, %max3A_47 : vector<256x16x64xf32>
    %mul3A = arith.mulf %exp3A, %add3A_60 : vector<256x16x64xf32>
    %reduce_sum3A_61 = arith.constant dense<0.000000e+00> : vector<256x64xf32>
    %reduce_sum3A_62 = vector.multi_reduction <add>, %mul3A, %reduce_sum3A_61 [1] : vector<256x16x64xf32> to vector<256x64xf32>
    %div3A = arith.divf %reduce_sum3A_62, %reduce_sum3A_59 : vector<256x64xf32>
    %swap3A = arith.constant 0 : index
    %swap3A_63 = arith.constant 0 : index
    %swap3A_64 = arith.constant 0 : index
    %swap3A_65 = vector.load %arg7[%swap3A, %swap3A_63, %swap3A_64] : memref<1x256x64xf32, #tpu.memory_space<vmem>>, vector<1x256x64xf32>
    %swap3A_66 = vector.shape_cast %swap3A_65 : vector<1x256x64xf32> to vector<256x64xf32>
    %swap3A_67 = vector.shape_cast %div3A : vector<256x64xf32> to vector<1x256x64xf32>
    tpu.vector_store %arg7[%swap3A, %swap3A_63, %swap3A_64], %swap3A_67 {strides = array<i32>} : memref<1x256x64xf32, #tpu.memory_space<vmem>>, vector<1x256x64xf32>,
    return
  }
  func.func @transform_0(%arg0: i32, %arg1: i32) -> (i32, i32, i32, i32) {
    %c0_i32 = arith.constant 0 : i32
    %c0_i32_0 = arith.constant 0 : i32
    %c0_i32_1 = arith.constant 0 : i32
    return %arg0, %arg1, %c0_i32, %c0_i32_0 : i32, i32, i32, i32
  }
  func.func @transform_1(%arg0: i32, %arg1: i32) -> (i32, i32, i32) {
    %c0_i32 = arith.constant 0 : i32
    %c0_i32_0 = arith.constant 0 : i32
    return %arg0, %arg1, %c0_i32 : i32, i32, i32
  }
  func.func @transform_2(%arg0: i32, %arg1: i32) -> (i32, i32, i32) {
    %c0_i32 = arith.constant 0 : i32
    %c0_i32_0 = arith.constant 0 : i32
    return %arg0, %arg1, %c0_i32 : i32, i32, i32
  }
  func.func @transform_3(%arg0: i32, %arg1: i32) -> (i32, i32) {
    %c0_i32 = arith.constant 0 : i32
    %c0_i32_0 = arith.constant 0 : i32
    %c0_i32_1 = arith.constant 0 : i32
    return %c0_i32, %c0_i32_0 : i32, i32
  }
  func.func @transform_4(%arg0: i32, %arg1: i32) -> (i32, i32) {
    %c0_i32 = arith.constant 0 : i32
    %c0_i32_0 = arith.constant 0 : i32
    %c0_i32_1 = arith.constant 0 : i32
    return %c0_i32, %c0_i32_0 : i32, i32
  }
  func.func @transform_5(%arg0: i32, %arg1: i32) -> (i32, i32, i32) {
    %c0_i32 = arith.constant 0 : i32
    %c0_i32_0 = arith.constant 0 : i32
    return %arg0, %arg1, %c0_i32 : i32, i32, i32
  }
}

</mosaic_0001>

<sc_bundles>
// kernel: kernel.14.cloned.1.call-start
scs
__scs_entry_jumppad:
0x0: {  	(pc) =	sbr.rel $0x88, $3  }
0x1: {  	(tag) =	ssettag $0x0;
	lr =	simm.s32 $0x1  }
0x2: {  	[smem:$0x3F9A] =	sst lr;
	_ =	strace $0xD0000000  }
0x3: {  	_ = 	snop  }
0x4: {  	_ = 	snop  }
0x5: {  	_ = 	snop  }
0x6: {  	_ = 	snop  }
0x7: {  	_ = 	snop  }
__scs_overlays_trampoline_lowered:
0x8: {  	[smem:$0x3FA9] =	sst s0  }
0x9: {  	[smem:$0x3FAA] =	sst s1  }
0xa: {  	[smem:$0x3FAB] =	sst s2  }
0xb: {  	[smem:$0x3FAC] =	sst s3  }
0xc: {  	[smem:$0x3FAD] =	sst s4  }
0xd: {  	[smem:$0x3FAE] =	sst s5  }
0xe: {  	[smem:$0x3FAF] =	sst s6  }
0xf: {  	[smem:$0x3FB0] =	sst s7  }
0x10: {  	[smem:$0x3FB1] =	sst s8  }
0x11: {  	[smem:$0x3FB2] =	sst s9;
	s0 =	simm.s32 @!p0 $0x0  }
0x12: {  	s1 =	sld [smem:$0x3F98];
	s0 =	simm.s32 @p0 $0x1  }
0x13: {  	[smem:$0x3FB3] =	sst s0;
	s0 =	simm.s32 @!p1 $0x0  }
0x14: {  	s2 =	sld [smem:$0x3F97];
	s0 =	simm.s32 @p1 $0x1  }
0x15: {  	[smem:$0x3FB4] =	sst s0;
	s0 =	simm.s32 @!p2 $0x0  }
0x16: {  	s3 =	sld [smem:$0x3FDB];
	s0 =	simm.s32 @p2 $0x1  }
0x17: {  	s4 =	simm.s32 $0x1BF5;
	[smem:$0x3FB6] =	sst s0  }
0x18: {  	s0 =	sld [smem:$0x3F99];
	_ =	swait.ge [sflag:s4], $0x0  }
0x19: {  	s7 =	sld [smem:$0x3F9A]  }
0x1a: {  	s8 =	sadd.s32 $0xFFFFE003, lr  }
0x1b: {  	s9 =	sadd.s32 $0xFFFFFEF7, lr;
	s5 =	simm.s32 $0xFFFFFFFF;
	p2 =	slt.u32 s8, $0xFFFFF086  }
0x1c: {  	p1 =	slt.u32 s9, $0xF7A;
	s5 =	simm.s32 @!p2 $0x0  }
0x1d: {  	s5 =	simm.s32 @p1 $0x1;
	p0 =	seq.s32 s7, s2  }
0x1e: {  	s7 =	smul.u32 @!p0 $0xF7A, s2;
	p2 =	seq.s32 @!p0 s5, $0x0  }
0x1f: {  	s9 =	smul.u32 $0xF7A, s1;
	s8 =	simm.s32 @!p0 $0x1BF5;
	p2 =	por !p2, p0  }
0x20: {  	[sflag:s8] =	ssyncset.s32 @!p0 $0xFFFFF086;
	s6 =	sadd.s32 @!p0 s3, s7;
	s7 =	simm.s32 @!p0 $0x108  }
0x21: {  	s3 =	sadd.s32 s3, s9;
	s6 =	sadd.s32 @!p0 $0x88, s6;
	s7 =	simm.s32 @p2 $0x1082  }
0x22: {  	[simem:s7], [sflag:s8] =	dma.local @!p0 [hbm:s6], $0xF7A  }
0x23: {  	s9 =	sor.u32 $0xD0000000, s2;
	s6 =	simm.s32 $0x108;
	_ =	swait.ge @!p0 [sflag:s8], $0x0  }
0x24: {  	s3 =	sadd.s32 $0x88, s3;
	s6 =	simm.s32 @!p1 $0x1082;
	[sflag:s4] =	ssyncset.s32 $0xFFFFF086  }
0x25: {  	[simem:s6], [sflag:s4] =	dma.local [hbm:s3], $0xF7A  }
0x26: {  	[smem:$0x3F9A] =	sst s1;
	(tag) =	ssettag s2;
	_ =	strace s9  }
0x27: {  	s1 =	sld [smem:$0x3FAA]  }
0x28: {  	s2 =	sld [smem:$0x3FAB]  }
0x29: {  	s4 =	sld [smem:$0x3FAD]  }
0x2a: {  	p0 =	seq.s32 s5, $0x0;
	s5 =	sld [smem:$0x3FAE]  }
0x2b: {  	s6 =	sld [smem:$0x3FAF]  }
0x2c: {  	s7 =	sld [smem:$0x3FB0]  }
0x2d: {  	s3 =	simm.s32 $0x108;
	s8 =	sld [smem:$0x3FB1]  }
0x2e: {  	s3 =	simm.s32 @!p0 $0x1082;
	s9 =	sld [smem:$0x3FB2]  }
0x2f: {  	lr =	sadd.s32 s0, s3;
	s0 =	sld [smem:$0x3FA9]  }
0x30: {  	s3 =	sld [smem:$0x3FAC]  }
0x31: {  	[smem:$0x3FB5] =	sst s10  }
0x32: {  	s10 =	sld [smem:$0x3FB3];
	_ =	sdelay $0x3  }
0x33: {  	p0 =	seq.s32 s10, $0x1;
	s10 =	sld [smem:$0x3FB5];
	_ =	sdelay $0x3  }
0x34: {  	[smem:$0x3FB5] =	sst s10  }
0x35: {  	s10 =	sld [smem:$0x3FB4];
	_ =	sdelay $0x3  }
0x36: {  	p1 =	seq.s32 s10, $0x1;
	s10 =	sld [smem:$0x3FB5];
	_ =	sdelay $0x3  }
0x37: {  	[smem:$0x3FB5] =	sst s10  }
0x38: {  	s10 =	sld [smem:$0x3FB6]  }
0x39: {  	_ = 	snop;
	(pc) =	sbr.ind lr, $3  }
0x3a: {  	_ = 	snop  }
0x3b: {  	_ = 	snop  }
0x3c: {  	p2 =	seq.s32 s10, $0x1;
	s10 =	sld [smem:$0x3FB5]  }
0x3d: {  	_ =	shalt  }
0x3e: {  	_ =	shalt  }
0x3f: {  	_ =	shalt  }
0x40: {  	_ =	shalt  }
0x41: {  	_ =	shalt  }
0x42: {  	_ =	shalt  }
0x43: {  	_ =	shalt  }
0x44: {  	_ =	shalt  }
0x45: {  	_ =	shalt  }
0x46: {  	_ =	shalt  }
0x47: {  	_ =	shalt  }
0x48: {  	_ =	shalt  }
0x49: {  	_ =	shalt  }
0x4a: {  	_ =	shalt  }
0x4b: {  	_ =	shalt  }
0x4c: {  	_ =	shalt  }
0x4d: {  	_ =	shalt  }
0x4e: {  	_ =	shalt  }
0x4f: {  	_ =	shalt  }
0x50: {  	_ =	shalt  }
0x51: {  	_ =	shalt  }
0x52: {  	_ =	shalt  }
0x53: {  	_ =	shalt  }
0x54: {  	_ =	shalt  }
0x55: {  	_ =	shalt  }
0x56: {  	_ =	shalt  }
0x57: {  	_ =	shalt  }
0x58: {  	_ =	shalt  }
0x59: {  	_ =	shalt  }
0x5a: {  	_ =	shalt  }
0x5b: {  	_ =	shalt  }
0x5c: {  	_ =	shalt  }
0x5d: {  	_ =	shalt  }
0x5e: {  	_ =	shalt  }
0x5f: {  	_ =	shalt  }
0x60: {  	_ =	shalt  }
0x61: {  	_ =	shalt  }
0x62: {  	_ =	shalt  }
0x63: {  	_ =	shalt  }
0x64: {  	_ =	shalt  }
0x65: {  	_ =	shalt  }
0x66: {  	_ =	shalt  }
0x67: {  	_ =	shalt  }
0x68: {  	_ =	shalt  }
0x69: {  	_ =	shalt  }
0x6a: {  	_ =	shalt  }
0x6b: {  	_ =	shalt  }
0x6c: {  	_ =	shalt  }
0x6d: {  	_ =	shalt  }
0x6e: {  	_ =	shalt  }
0x6f: {  	_ =	shalt  }
0x70: {  	_ =	shalt  }
0x71: {  	_ =	shalt  }
0x72: {  	_ =	shalt  }
0x73: {  	_ =	shalt  }
0x74: {  	_ =	shalt  }
0x75: {  	_ =	shalt  }
0x76: {  	_ =	shalt  }
0x77: {  	_ =	shalt  }
0x78: {  	_ =	shalt  }
0x79: {  	_ =	shalt  }
0x7a: {  	_ =	shalt  }
0x7b: {  	_ =	shalt  }
0x7c: {  	_ =	shalt  }
0x7d: {  	_ =	shalt  }
0x7e: {  	_ =	shalt  }
0x7f: {  	_ =	shalt  }
0x80: {  	_ =	shalt  }
0x81: {  	_ =	shalt  }
0x82: {  	_ =	shalt  }
0x83: {  	_ =	shalt  }
0x84: {  	_ =	shalt  }
0x85: {  	_ =	shalt  }
0x86: {  	_ =	shalt  }
0x87: {  	_ =	shalt  }
.Lfunc_end0:
.L_simem_size_0:
called_computation_lowered:
.L_overlay_start_0:
0x88: {  	s2 =	sld [smem:$0x3FD9]  }
0x89: {  	s3 =	sld [smem:$0x3FFE];
	_ =	sdelay $0x1  }
0x8a: {  	s1 =	srdreg.scid  }
0x8b: {  	s0 =	sand.u32 $0x1, s1  }
0x8c: {  	s16 =	sshll.u32 s0, $0xA;
	s2 =	sadd.s32 s3, s2  }
0x8d: {  	s2 =	sadd.s32 s2, s16  }
0x8e: {  	[smem:$0x3FC1] =	sst s2  }
0x8f: {  	_ = 	snop  }
0x90: {  	(tm) =	ssettm $0x1  }
0x91: {  	s17 =	sld [smem:$0x3FFB];
	_ =	sdelay $0x3  }
0x92: {  	_ =	strace s17  }
0x93: {  	s2 =	sld [smem:$0x3FFC];
	_ =	sdelay $0x3  }
0x94: {  	_ =	strace s2  }
0x95: {  	s2 =	sld [smem:$0x3FFD];
	_ =	sdelay $0x3  }
0x96: {  	_ =	strace s2  }
0x97: {  	_ =	strace $0x8FFFFFFF  }
0x98: {  	s18 =	sld [smem:$0x3FDB];
	_ =	sdelay $0x1  }
0x99: {  	s19 =	simm.s32 $_scs_section_size  }
0x9a: {  	s4 =	simm.s32 $_size__tile_overlayer_lowered;
	s5 =	simm.s32 $_tile_overlayer_lowered  }
0x9b: {  	s22 =	simm.s32 $0x1BFF;
	s21 =	sshll.u32 s5, $0x1;
	s2 =	sadd.s32 s19, s18  }
0x9c: {  	s6 =	simm.s32 $0x0;
	s20 =	sshll.u32 s4, $0x1;
	s4 =	sadd.s32 s21, s2  }
0x9d: {  	[timem:s6], [sflag:s22] =	dma.local [hbm:s4], s20  }
0x9e: {  	_ =	swait.ge [sflag:s22], s20  }
0x9f: {  	s3 =	ssub.s32 $0x0, s20;
	[sflag:s22] =	ssyncset.done $0x0  }
0xa0: {  	[sflag:s22] =	ssyncadd.s32 s3;
	_ =	sdelay $0x1  }
0xa1: {  	s23 =	simm.s32 $0x1B8B  }
0xa2: {  	_ =	swait.ge [sflag:s23], $0x1  }
0xa3: {  	[sflag:s23] =	ssyncset.done $0x0  }
0xa4: {  	s25 =	simm.s32 $0x1B8E;
	s24 =	sld [smem:$0x3FFE];
	[sflag:s23] =	ssyncadd.s32 $0xFFFFFFFF  }
0xa5: {  	s26 =	simm.s32 $execute0_lowered;
	[smem:$0x3FD2] =	sst s25  }
0xa6: {  	s4 =	sshll.u32 s26, $0x1;
	_ =	strace $0x80000046;
	[dreg:$0x1] =	wrdreg $0xFFFFFFFF  }
0xa7: {  	s28 =	simm.s32 $_size_execute0_lowered;
	s2 =	sadd.s32 s2, s4;
	[dreg:$0x0] =	wrdreg $0x0  }
0xa8: {  	s4 =	sshll.u32 s28, $0x1;
	[dreg:$0x2] =	wrdreg s2  }
0xa9: {  	[dreg:$0x3] =	wrdreg s4  }
0xaa: {  	[dreg:$0x4] =	wrdreg $0xC0  }
0xab: {  	_ =	task [dreg:s6], $0x5FFFF  }
0xac: {  	[dreg:$0x1] =	wrdreg $0xFFFFFFFF  }
0xad: {  	[dreg:$0x0] =	wrdreg $0x60  }
0xae: {  	[dreg:$0x2] =	wrdreg s24  }
0xaf: {  	[dreg:$0x3] =	wrdreg $0x9  }
0xb0: {  	_ =	task.clear_ibuf [dreg:s6], $0x4FFFF;
	_ =	strace $0x90000046  }
0xb1: {  	s29 =	simm.s32 $0x9;
	_ =	strace $0x80000048  }
0xb2: {  	_ =	swait.ge [sflag:s29], $0x1  }
0xb3: {  	[sflag:s29] =	ssyncadd.s32 $0xFFFFFFFF  }
0xb4: {  	_ =	strace $0x90000048  }
0xb5: {  	_ =	sfence  }
0xb6: {  	s30 =	sld [smem:$0x0];
	_ =	sdelay $0x2  }
0xb7: {  	s31 =	sshll.u32 s1, $0xD;
	s1 =	sshrl.u32 s1, $0x2  }
0xb8: {  	s3 =	sand.u32 $0x4000, s31;
	s1 =	sadd.s32 s1, s30  }
0xb9: {  	s0 =	sor.u32 s3, s0;
	s1 =	sshll.u32 s1, $0x11  }
0xba: {  	s0 =	sor.u32 s1, s0  }
0xbb: {  	s0 =	sadd.s32 $0x8F2B, s0  }
0xbc: {  	[sflag:s0] =	ssyncadd.remote.s32 $0x1  }
0xbd: {  	_ =	sfence.sel $0xFFFF  }
0xbe: {  	[dreg:$0x0] =	wrdreg $0xFFFFFFFF;
	(pc) =	sbr.abs _section_cstart, $3  }
0xbf: {  	[dreg:$0x1] =	wrdreg $0xFFFFFFFF  }
0xc0: {  	_ =	task.clear_ibuf [dreg:s6], $0x2FFFF;
	_ =	strace $0x9FFFFFFF  }
0xc1: {  	(tm) =	ssettm $0x7FFFFFFF  }
tec
execute0_lowered:
.L_overlay_start_1:
0x0: {  	(tag) =	ssettag $0x1  }
0x1: {  	s4 =	rddreg [dreg:$0x0]  }
0x2: {  	s0 =	rddreg [dreg:$0x1];
	s2 =	simm.s32 $0x0;
	s3 =	srdreg.scid  }
0x3: {  	s1 =	stileid.u32;
	s10 =	simm.s32 $0x0;
	[smem:$0x7FF] =	sst s2  }
0x4: {  	s5 =	sand.u32 $0x1, s3;
	s6 =	sshll.u32 s1, $0xC;
	s3 =	sadd.s32 $0x4000, s4  }
0x5: {  	s8 =	sshll.u32 s1, $0x10;
	_ =	strace $0x80000047;
	s7 =	sshll.u32 s5, $0xB  }
0x6: {  	s31 =	ssub.s32 $0x2, s5;
	s8 =	sadd.s32 s8, s4;
	s5 =	sshll.u32 s5, $0xF  }
0x7: {  	s6 =	sor.u32 s7, s6;
	s9 =	sshrl.u32 s31, $0x1;
	s5 =	sadd.s32 s5, s8  }
0x8: {  	s8 =	simm.s32 $0x80;
	s6 =	sshrl.u32 s6, $0x3;
	s7 =	ssub.s32 s31, s9  }
0x9: {  	s5 =	sadd.s32 $0x26000, s5;
	s9 =	simm.s32 $0x1;
	s6 =	sadd.s32 s6, s4  }
0xa: {  	s4 =	smax.u32 s7, $0x1;
	s7 =	simm.s32 $0x2;
	s6 =	sadd.s32 $0x24000, s6  }
.LBB2_1:
0xb: {  	s11 =	sadd.s32 $0x0, s6  }
0xc: {  	[tilespmem:s2], [sflag:$0x2] =	stream.linear.gather [hbm4b:s11+s2], $0x80, $0x38;
	[tilespmem:$0x4080] =	vst v63  }
0xd: {  	_ =	swait.ge [sflag:s7], $0x80  }
0xe: {  	[sflag:s7] =	ssyncset.done $0x0  }
0xf: {  	[sflag:s7] =	ssyncadd.s32 $0xFFFFFF80  }
0x10: {  	[tilespmem:s8], [sflag:$0x1] =	stream.indirect.gather [hbm4b:s3+s8], $0x80, s2, s8, $0xb8;
	[tilespmem:$0x4080] =	vst v63  }
0x11: {  	_ =	swait.ge [sflag:s9], $0x4000  }
0x12: {  	[sflag:s9] =	ssyncset.done $0x0  }
0x13: {  	[sflag:s9] =	ssyncadd.s32 $0xFFFFC000  }
0x14: {  	[hbm4b:s5+s2] =	stream.linear.scatter [tilespmem:s8], [sflag:$0x2], $0x4000, $0x38;
	[tilespmem:$0x4080] =	vst v63  }
0x15: {  	s12 =	simm.s32 $0x10;
	_ =	swait.ge [sflag:s7], $0x4000  }
0x16: {  	s13 =	simm.s32 $0x20;
	s11 =	sadd.s32 $0x800, s5;
	[sflag:s7] =	ssyncset.done $0x0  }
.LBB2_2:
0x17: {  	s14 =	sadd.s32 s12, s6  }
0x18: {  	[sflag:s7] =	ssyncadd.s32 $0xFFFFC000;
	s12 =	smov.u32 s13;
	s15 =	sadd.s32 $0x10, s13  }
0x19: {  	[tilespmem:s2], [sflag:$0x2] =	stream.linear.gather [hbm4b:s14+s2], $0x80, $0x38;
	[tilespmem:$0x4080] =	vst v63  }
0x1a: {  	p0 =	sne.s32 s13, $0xF0;
	_ =	swait.ge [sflag:s7], $0x80  }
0x1b: {  	[sflag:s7] =	ssyncset.done $0x0  }
0x1c: {  	[sflag:s7] =	ssyncadd.s32 $0xFFFFFF80  }
0x1d: {  	[tilespmem:s8], [sflag:$0x1] =	stream.indirect.gather [hbm4b:s3+s8], $0x80, s2, s8, $0xb8;
	[tilespmem:$0x4080] =	vst v63  }
0x1e: {  	_ =	swait.ge [sflag:s9], $0x4000  }
.Ltmp0:
0x1f: {  	[sflag:s9] =	ssyncset.done $0x0;
	(pc) =	sbr.rel @p0 .LBB2_2-.Ltmp0, $4  }
0x20: {  	[sflag:s9] =	ssyncadd.s32 $0xFFFFC000  }
0x21: {  	[hbm4b:s11+s2] =	stream.linear.scatter [tilespmem:s8], [sflag:$0x2], $0x4000, $0x38;
	[tilespmem:$0x4080] =	vst v63  }
0x22: {  	_ =	swait.ge [sflag:s7], $0x4000  }
0x23: {  	s13 =	smov.u32 s15;
	s11 =	sadd.s32 $0x800, s11;
	[sflag:s7] =	ssyncset.done $0x0  }
0x24: {  	s12 =	sadd.s32 s12, s6;
	[sflag:s7] =	ssyncadd.s32 $0xFFFFC000  }
0x25: {  	[tilespmem:s2], [sflag:$0x2] =	stream.linear.gather [hbm4b:s12+s2], $0x80, $0x38;
	[tilespmem:$0x4080] =	vst v63  }
0x26: {  	_ =	swait.ge [sflag:s7], $0x80  }
0x27: {  	[sflag:s7] =	ssyncset.done $0x0  }
0x28: {  	[sflag:s7] =	ssyncadd.s32 $0xFFFFFF80  }
0x29: {  	[tilespmem:s8], [sflag:$0x1] =	stream.indirect.gather [hbm4b:s3+s8], $0x80, s2, s8, $0xb8;
	[tilespmem:$0x4080] =	vst v63  }
0x2a: {  	s10 =	sadd.s32 $0x1, s10;
	_ =	swait.ge [sflag:s9], $0x4000  }
0x2b: {  	p0 =	sne.s32 s10, s4;
	[sflag:s9] =	ssyncset.done $0x0  }
.Ltmp1:
0x2c: {  	[sflag:s9] =	ssyncadd.s32 $0xFFFFC000;
	(pc) =	sbr.rel @p0 .LBB2_1-.Ltmp1, $4  }
0x2d: {  	[hbm4b:s11+s2] =	stream.linear.scatter [tilespmem:s8], [sflag:$0x2], $0x4000, $0x38;
	[tilespmem:$0x4080] =	vst v63  }
0x2e: {  	_ =	swait.ge [sflag:s7], $0x4000  }
0x2f: {  	[sflag:s7] =	ssyncset.done $0x0  }
0x30: {  	[sflag:s7] =	ssyncadd.s32 $0xFFFFC000  }
0x31: {  	_ =	sfence.sel $0x180000  }
0x32: {  	[bflag:$0x0] =	sbarrier.arrive $0xFFFF  }
0x33: {  	p0 =	sne.s32 s1, $0x0;
	_ =	strace $0x90000047  }
0x34: {  	s0 =	sadd.s32 @!p0 $0x100000, s0;
	[bflag:$0x2] =	sbarrier.arrive $0xFFFF  }
0x35: {  	[sflag:s0] =	ssyncadd.tile.s32 @!p0 $0x1;
	_ =	shalt  }
.Lfunc_end2:
_tile_overlayer_lowered:
.L_overlay_start_2:
0x36: {  	(tag) =	ssettag $0x2  }
0x37: {  	s0 =	rddreg [dreg:$0x0];
	s2 =	stileid.u32  }
0x38: {  	s1 =	rddreg [dreg:$0x1];
	p0 =	sne.s32 s2, $0x0  }
0x39: {  	s3 =	rddreg [dreg:$0x2];
	[bflag:$0x3] =	sbarrier.arrive $0xFFFF;
	s2 =	simm.s32 @!p0 $0x1C02  }
0x3a: {  	[timem:s3], [sflag:s2] =	dma.local @!p0 [hbm:s0], s1  }
0x3b: {  	s0 =	simm.s32 @!p0 $0x2  }
0x3c: {  	_ =	swait.ge @!p0 [sflag:s0], s1  }
0x3d: {  	s1 =	ssub.s32 @!p0 $0x0, s1;
	[sflag:s0] =	ssyncset.done @!p0 $0x0  }
0x3e: {  	[sflag:s0] =	ssyncadd.s32 @!p0 s1  }
0x3f: {  	[bflag:$0x3] =	sbarrier.arrive $0xFFFF  }
0x40: {  	_ =	shalt  }

// kernel: kernel.17.cloned.1.call-start
scs
__scs_entry_jumppad:
0x0: {  	(pc) =	sbr.rel $0x88, $3  }
0x1: {  	(tag) =	ssettag $0x0;
	lr =	simm.s32 $0x1  }
0x2: {  	[smem:$0x3F9A] =	sst lr;
	_ =	strace $0xD0000000  }
0x3: {  	_ = 	snop  }
0x4: {  	_ = 	snop  }
0x5: {  	_ = 	snop  }
0x6: {  	_ = 	snop  }
0x7: {  	_ = 	snop  }
__scs_overlays_trampoline_lowered:
0x8: {  	[smem:$0x3FA9] =	sst s0  }
0x9: {  	[smem:$0x3FAA] =	sst s1  }
0xa: {  	[smem:$0x3FAB] =	sst s2  }
0xb: {  	[smem:$0x3FAC] =	sst s3  }
0xc: {  	[smem:$0x3FAD] =	sst s4  }
0xd: {  	[smem:$0x3FAE] =	sst s5  }
0xe: {  	[smem:$0x3FAF] =	sst s6  }
0xf: {  	[smem:$0x3FB0] =	sst s7  }
0x10: {  	[smem:$0x3FB1] =	sst s8  }
0x11: {  	[smem:$0x3FB2] =	sst s9;
	s0 =	simm.s32 @!p0 $0x0  }
0x12: {  	s1 =	sld [smem:$0x3F98];
	s0 =	simm.s32 @p0 $0x1  }
0x13: {  	[smem:$0x3FB3] =	sst s0;
	s0 =	simm.s32 @!p1 $0x0  }
0x14: {  	s2 =	sld [smem:$0x3F97];
	s0 =	simm.s32 @p1 $0x1  }
0x15: {  	[smem:$0x3FB4] =	sst s0;
	s0 =	simm.s32 @!p2 $0x0  }
0x16: {  	s3 =	sld [smem:$0x3FDB];
	s0 =	simm.s32 @p2 $0x1  }
0x17: {  	s4 =	simm.s32 $0x1BF5;
	[smem:$0x3FB6] =	sst s0  }
0x18: {  	s0 =	sld [smem:$0x3F99];
	_ =	swait.ge [sflag:s4], $0x0  }
0x19: {  	s7 =	sld [smem:$0x3F9A]  }
0x1a: {  	s8 =	sadd.s32 $0xFFFFE003, lr  }
0x1b: {  	s9 =	sadd.s32 $0xFFFFFEF7, lr;
	s5 =	simm.s32 $0xFFFFFFFF;
	p2 =	slt.u32 s8, $0xFFFFF086  }
0x1c: {  	p1 =	slt.u32 s9, $0xF7A;
	s5 =	simm.s32 @!p2 $0x0  }
0x1d: {  	s5 =	simm.s32 @p1 $0x1;
	p0 =	seq.s32 s7, s2  }
0x1e: {  	s7 =	smul.u32 @!p0 $0xF7A, s2;
	p2 =	seq.s32 @!p0 s5, $0x0  }
0x1f: {  	s9 =	smul.u32 $0xF7A, s1;
	s8 =	simm.s32 @!p0 $0x1BF5;
	p2 =	por !p2, p0  }
0x20: {  	[sflag:s8] =	ssyncset.s32 @!p0 $0xFFFFF086;
	s6 =	sadd.s32 @!p0 s3, s7;
	s7 =	simm.s32 @!p0 $0x108  }
0x21: {  	s3 =	sadd.s32 s3, s9;
	s6 =	sadd.s32 @!p0 $0x88, s6;
	s7 =	simm.s32 @p2 $0x1082  }
0x22: {  	[simem:s7], [sflag:s8] =	dma.local @!p0 [hbm:s6], $0xF7A  }
0x23: {  	s9 =	sor.u32 $0xD0000000, s2;
	s6 =	simm.s32 $0x108;
	_ =	swait.ge @!p0 [sflag:s8], $0x0  }
0x24: {  	s3 =	sadd.s32 $0x88, s3;
	s6 =	simm.s32 @!p1 $0x1082;
	[sflag:s4] =	ssyncset.s32 $0xFFFFF086  }
0x25: {  	[simem:s6], [sflag:s4] =	dma.local [hbm:s3], $0xF7A  }
0x26: {  	[smem:$0x3F9A] =	sst s1;
	(tag) =	ssettag s2;
	_ =	strace s9  }
0x27: {  	s1 =	sld [smem:$0x3FAA]  }
0x28: {  	s2 =	sld [smem:$0x3FAB]  }
0x29: {  	s4 =	sld [smem:$0x3FAD]  }
0x2a: {  	p0 =	seq.s32 s5, $0x0;
	s5 =	sld [smem:$0x3FAE]  }
0x2b: {  	s6 =	sld [smem:$0x3FAF]  }
0x2c: {  	s7 =	sld [smem:$0x3FB0]  }
0x2d: {  	s3 =	simm.s32 $0x108;
	s8 =	sld [smem:$0x3FB1]  }
0x2e: {  	s3 =	simm.s32 @!p0 $0x1082;
	s9 =	sld [smem:$0x3FB2]  }
0x2f: {  	lr =	sadd.s32 s0, s3;
	s0 =	sld [smem:$0x3FA9]  }
0x30: {  	s3 =	sld [smem:$0x3FAC]  }
0x31: {  	[smem:$0x3FB5] =	sst s10  }
0x32: {  	s10 =	sld [smem:$0x3FB3];
	_ =	sdelay $0x3  }
0x33: {  	p0 =	seq.s32 s10, $0x1;
	s10 =	sld [smem:$0x3FB5];
	_ =	sdelay $0x3  }
0x34: {  	[smem:$0x3FB5] =	sst s10  }
0x35: {  	s10 =	sld [smem:$0x3FB4];
	_ =	sdelay $0x3  }
0x36: {  	p1 =	seq.s32 s10, $0x1;
	s10 =	sld [smem:$0x3FB5];
	_ =	sdelay $0x3  }
0x37: {  	[smem:$0x3FB5] =	sst s10  }
0x38: {  	s10 =	sld [smem:$0x3FB6]  }
0x39: {  	_ = 	snop;
	(pc) =	sbr.ind lr, $3  }
0x3a: {  	_ = 	snop  }
0x3b: {  	_ = 	snop  }
0x3c: {  	p2 =	seq.s32 s10, $0x1;
	s10 =	sld [smem:$0x3FB5]  }
0x3d: {  	_ =	shalt  }
0x3e: {  	_ =	shalt  }
0x3f: {  	_ =	shalt  }
0x40: {  	_ =	shalt  }
0x41: {  	_ =	shalt  }
0x42: {  	_ =	shalt  }
0x43: {  	_ =	shalt  }
0x44: {  	_ =	shalt  }
0x45: {  	_ =	shalt  }
0x46: {  	_ =	shalt  }
0x47: {  	_ =	shalt  }
0x48: {  	_ =	shalt  }
0x49: {  	_ =	shalt  }
0x4a: {  	_ =	shalt  }
0x4b: {  	_ =	shalt  }
0x4c: {  	_ =	shalt  }
0x4d: {  	_ =	shalt  }
0x4e: {  	_ =	shalt  }
0x4f: {  	_ =	shalt  }
0x50: {  	_ =	shalt  }
0x51: {  	_ =	shalt  }
0x52: {  	_ =	shalt  }
0x53: {  	_ =	shalt  }
0x54: {  	_ =	shalt  }
0x55: {  	_ =	shalt  }
0x56: {  	_ =	shalt  }
0x57: {  	_ =	shalt  }
0x58: {  	_ =	shalt  }
0x59: {  	_ =	shalt  }
0x5a: {  	_ =	shalt  }
0x5b: {  	_ =	shalt  }
0x5c: {  	_ =	shalt  }
0x5d: {  	_ =	shalt  }
0x5e: {  	_ =	shalt  }
0x5f: {  	_ =	shalt  }
0x60: {  	_ =	shalt  }
0x61: {  	_ =	shalt  }
0x62: {  	_ =	shalt  }
0x63: {  	_ =	shalt  }
0x64: {  	_ =	shalt  }
0x65: {  	_ =	shalt  }
0x66: {  	_ =	shalt  }
0x67: {  	_ =	shalt  }
0x68: {  	_ =	shalt  }
0x69: {  	_ =	shalt  }
0x6a: {  	_ =	shalt  }
0x6b: {  	_ =	shalt  }
0x6c: {  	_ =	shalt  }
0x6d: {  	_ =	shalt  }
0x6e: {  	_ =	shalt  }
0x6f: {  	_ =	shalt  }
0x70: {  	_ =	shalt  }
0x71: {  	_ =	shalt  }
0x72: {  	_ =	shalt  }
0x73: {  	_ =	shalt  }
0x74: {  	_ =	shalt  }
0x75: {  	_ =	shalt  }
0x76: {  	_ =	shalt  }
0x77: {  	_ =	shalt  }
0x78: {  	_ =	shalt  }
0x79: {  	_ =	shalt  }
0x7a: {  	_ =	shalt  }
0x7b: {  	_ =	shalt  }
0x7c: {  	_ =	shalt  }
0x7d: {  	_ =	shalt  }
0x7e: {  	_ =	shalt  }
0x7f: {  	_ =	shalt  }
0x80: {  	_ =	shalt  }
0x81: {  	_ =	shalt  }
0x82: {  	_ =	shalt  }
0x83: {  	_ =	shalt  }
0x84: {  	_ =	shalt  }
0x85: {  	_ =	shalt  }
0x86: {  	_ =	shalt  }
0x87: {  	_ =	shalt  }
.Lfunc_end0:
.L_simem_size_0:
called_computation.1_lowered:
.L_overlay_start_0:
0x88: {  	s2 =	sld [smem:$0x3FD9]  }
0x89: {  	s3 =	sld [smem:$0x3FFE];
	_ =	sdelay $0x1  }
0x8a: {  	s1 =	srdreg.scid  }
0x8b: {  	s0 =	sand.u32 $0x1, s1  }
0x8c: {  	s17 =	sshll.u32 s0, $0xA;
	s2 =	sadd.s32 s3, s2  }
0x8d: {  	s2 =	sadd.s32 s2, s17  }
0x8e: {  	[smem:$0x3FC1] =	sst s2  }
0x8f: {  	_ = 	snop  }
0x90: {  	(tm) =	ssettm $0x1  }
0x91: {  	s18 =	sld [smem:$0x3FFB];
	_ =	sdelay $0x3  }
0x92: {  	_ =	strace s18  }
0x93: {  	s2 =	sld [smem:$0x3FFC];
	_ =	sdelay $0x3  }
0x94: {  	_ =	strace s2  }
0x95: {  	s2 =	sld [smem:$0x3FFD];
	_ =	sdelay $0x3  }
0x96: {  	_ =	strace s2  }
0x97: {  	_ =	strace $0x8FFFFFFF  }
0x98: {  	s19 =	sld [smem:$0x3FDB];
	_ =	sdelay $0x1  }
0x99: {  	s20 =	simm.s32 $_scs_section_size  }
0x9a: {  	s4 =	simm.s32 $_size__tile_overlayer_lowered;
	s5 =	simm.s32 $_tile_overlayer_lowered  }
0x9b: {  	s6 =	simm.s32 $0x1BFF;
	s21 =	sshll.u32 s5, $0x1;
	s3 =	sadd.s32 s20, s19  }
0x9c: {  	s22 =	simm.s32 $0x0;
	s4 =	sshll.u32 s4, $0x1;
	s5 =	sadd.s32 s21, s3  }
0x9d: {  	[timem:s22], [sflag:s6] =	dma.local [hbm:s5], s4  }
0x9e: {  	_ =	swait.ge [sflag:s6], s4  }
0x9f: {  	s4 =	ssub.s32 $0x0, s4;
	[sflag:s6] =	ssyncset.done $0x0  }
0xa0: {  	[sflag:s6] =	ssyncadd.s32 s4;
	_ =	sdelay $0x1  }
0xa1: {  	s23 =	simm.s32 $0x1B8B  }
0xa2: {  	_ =	swait.ge [sflag:s23], $0x1  }
0xa3: {  	[sflag:s23] =	ssyncset.done $0x0  }
0xa4: {  	[sflag:s23] =	ssyncadd.s32 $0xFFFFFFFF  }
0xa5: {  	s4 =	sld [smem:$0x0]  }
0xa6: {  	s5 =	sand.u32 $0xFFFFFFFE, s1  }
0xa7: {  	p0 =	sne.s32 s1, s5  }
0xa8: {  	s5 =	sshll.u32 @p0 s5, $0xE  }
0xa9: {  	s5 =	sadd.s32 @p0 $0x11B8D, s5;
	s6 =	sshll.u32 @p0 s4, $0x11  }
0xaa: {  	s5 =	sor.u32 @p0 s6, s5  }
0xab: {  	[sflag:s5] =	ssyncadd.remote.s32 @p0 $0x1;
	_ =	sdelay $0x1  }
0xac: {  	s5 =	simm.s32 @p0 $0x1B8D  }
0xad: {  	_ =	swait.eq @p0 [sflag:s5], $0x1  }
0xae: {  	[sflag:s5] =	ssyncadd.s32 @p0 $0xFFFFFFFF  }
0xaf: {  	s6 =	sshll.u32 @!p0 s1, $0xE  }
0xb0: {  	s6 =	sor.u32 @!p0 $0x4000, s6;
	s5 =	simm.s32 @!p0 $0x1B8D  }
0xb1: {  	s4 =	sshll.u32 @!p0 s4, $0x11;
	s6 =	sadd.s32 @!p0 $0x11B8D, s6;
	_ =	swait.eq @!p0 [sflag:s5], $0x1  }
0xb2: {  	s4 =	sor.u32 @!p0 s4, s6;
	[sflag:s5] =	ssyncadd.s32 @!p0 $0xFFFFFFFF  }
0xb3: {  	s25 =	simm.s32 $0x1B8E;
	s24 =	sld [smem:$0x3FFE];
	[sflag:s4] =	ssyncadd.remote.s32 @!p0 $0x1  }
0xb4: {  	s26 =	simm.s32 $execute0_lowered;
	[smem:$0x3FD2] =	sst s25  }
0xb5: {  	s5 =	sshll.u32 s26, $0x1;
	_ =	strace $0x80000049;
	[dreg:$0x1] =	wrdreg $0xFFFFFFFF  }
0xb6: {  	s28 =	simm.s32 $_size_execute0_lowered;
	s3 =	sadd.s32 s3, s5;
	[dreg:$0x0] =	wrdreg $0x0  }
0xb7: {  	s5 =	sshll.u32 s28, $0x1;
	[dreg:$0x2] =	wrdreg s3  }
0xb8: {  	[dreg:$0x3] =	wrdreg s5  }
0xb9: {  	[dreg:$0x4] =	wrdreg $0xC0  }
0xba: {  	_ =	task [dreg:s22], $0x5FFFF  }
0xbb: {  	[dreg:$0x1] =	wrdreg $0xFFFFFFFF  }
0xbc: {  	[dreg:$0x0] =	wrdreg $0x60  }
0xbd: {  	[dreg:$0x2] =	wrdreg s24  }
0xbe: {  	[dreg:$0x3] =	wrdreg $0xA  }
0xbf: {  	_ =	task.clear_ibuf [dreg:s22], $0x4FFFF;
	_ =	strace $0x90000049  }
0xc0: {  	s29 =	simm.s32 $0xA;
	_ =	strace $0x8000004B  }
0xc1: {  	_ =	swait.ge [sflag:s29], $0x1  }
0xc2: {  	[sflag:s29] =	ssyncadd.s32 $0xFFFFFFFF  }
0xc3: {  	_ =	strace $0x9000004B  }
0xc4: {  	_ =	sfence  }
0xc5: {  	s30 =	sld [smem:$0x0];
	_ =	sdelay $0x2  }
0xc6: {  	s31 =	sshll.u32 s1, $0xD;
	s1 =	sshrl.u32 s1, $0x2  }
0xc7: {  	s4 =	sand.u32 $0x4000, s31;
	s1 =	sadd.s32 s1, s30  }
0xc8: {  	s0 =	sor.u32 s4, s0;
	s1 =	sshll.u32 s1, $0x11  }
0xc9: {  	s0 =	sor.u32 s1, s0  }
0xca: {  	s0 =	sadd.s32 $0x8F2B, s0  }
0xcb: {  	[sflag:s0] =	ssyncadd.remote.s32 $0x1  }
0xcc: {  	_ =	sfence.sel $0xFFFF  }
0xcd: {  	[dreg:$0x0] =	wrdreg $0xFFFFFFFF;
	(pc) =	sbr.abs _section_cstart, $3  }
0xce: {  	[dreg:$0x1] =	wrdreg $0xFFFFFFFF  }
0xcf: {  	_ =	task.clear_ibuf [dreg:s22], $0x2FFFF;
	_ =	strace $0x9FFFFFFF  }
0xd0: {  	(tm) =	ssettm $0x7FFFFFFF  }
0xd1: {  	_ =	shalt  }
tec
execute0_lowered:
.L_overlay_start_1:
0x0: {  	(tag) =	ssettag $0x1  }
0x1: {  	s4 =	rddreg [dreg:$0x0]  }
0x2: {  	s0 =	rddreg [dreg:$0x1];
	s2 =	simm.s32 $0x0;
	s3 =	srdreg.scid  }
0x3: {  	s1 =	stileid.u32;
	s10 =	simm.s32 $0x0;
	[smem:$0x7FF] =	sst s2  }
0x4: {  	s5 =	sand.u32 $0x1, s3;
	s6 =	sshll.u32 s1, $0xC;
	s3 =	sadd.s32 $0x126000, s4  }
0x5: {  	s8 =	sshll.u32 s1, $0x10;
	_ =	strace $0x8000004A;
	s7 =	sshll.u32 s5, $0xB  }
0x6: {  	s31 =	ssub.s32 $0x2, s5;
	s8 =	sadd.s32 s8, s4;
	s5 =	sshll.u32 s5, $0xF  }
0x7: {  	s6 =	sor.u32 s7, s6;
	s9 =	sshrl.u32 s31, $0x1;
	s5 =	sadd.s32 s5, s8  }
0x8: {  	s8 =	simm.s32 $0x80;
	s6 =	sshrl.u32 s6, $0x3;
	s7 =	ssub.s32 s31, s9  }
0x9: {  	s5 =	sadd.s32 $0x138000, s5;
	s9 =	simm.s32 $0x1;
	s6 =	sadd.s32 s6, s4  }
0xa: {  	s4 =	smax.u32 s7, $0x1;
	s7 =	simm.s32 $0x2;
	s6 =	sadd.s32 $0x136000, s6  }
.LBB2_1:
0xb: {  	s11 =	sadd.s32 $0x0, s6  }
0xc: {  	[tilespmem:s2], [sflag:$0x2] =	stream.linear.gather [hbm4b:s11+s2], $0x80, $0x38;
	[tilespmem:$0x4080] =	vst v63  }
0xd: {  	_ =	swait.ge [sflag:s7], $0x80  }
0xe: {  	[sflag:s7] =	ssyncset.done $0x0  }
0xf: {  	[sflag:s7] =	ssyncadd.s32 $0xFFFFFF80  }
0x10: {  	[tilespmem:s8], [sflag:$0x1] =	stream.indirect.gather [hbm4b:s3+s8], $0x80, s2, s8, $0xb8;
	[tilespmem:$0x4080] =	vst v63  }
0x11: {  	_ =	swait.ge [sflag:s9], $0x4000  }
0x12: {  	[sflag:s9] =	ssyncset.done $0x0  }
0x13: {  	[sflag:s9] =	ssyncadd.s32 $0xFFFFC000  }
0x14: {  	[hbm4b:s5+s2] =	stream.linear.scatter [tilespmem:s8], [sflag:$0x2], $0x4000, $0x38;
	[tilespmem:$0x4080] =	vst v63  }
0x15: {  	s12 =	simm.s32 $0x10;
	_ =	swait.ge [sflag:s7], $0x4000  }
0x16: {  	s13 =	simm.s32 $0x20;
	s11 =	sadd.s32 $0x800, s5;
	[sflag:s7] =	ssyncset.done $0x0  }
.LBB2_2:
0x17: {  	s14 =	sadd.s32 s12, s6  }
0x18: {  	[sflag:s7] =	ssyncadd.s32 $0xFFFFC000;
	s12 =	smov.u32 s13;
	s15 =	sadd.s32 $0x10, s13  }
0x19: {  	[tilespmem:s2], [sflag:$0x2] =	stream.linear.gather [hbm4b:s14+s2], $0x80, $0x38;
	[tilespmem:$0x4080] =	vst v63  }
0x1a: {  	p0 =	sne.s32 s13, $0xF0;
	_ =	swait.ge [sflag:s7], $0x80  }
0x1b: {  	[sflag:s7] =	ssyncset.done $0x0  }
0x1c: {  	[sflag:s7] =	ssyncadd.s32 $0xFFFFFF80  }
0x1d: {  	[tilespmem:s8], [sflag:$0x1] =	stream.indirect.gather [hbm4b:s3+s8], $0x80, s2, s8, $0xb8;
	[tilespmem:$0x4080] =	vst v63  }
0x1e: {  	_ =	swait.ge [sflag:s9], $0x4000  }
.Ltmp0:
0x1f: {  	[sflag:s9] =	ssyncset.done $0x0;
	(pc) =	sbr.rel @p0 .LBB2_2-.Ltmp0, $4  }
0x20: {  	[sflag:s9] =	ssyncadd.s32 $0xFFFFC000  }
0x21: {  	[hbm4b:s11+s2] =	stream.linear.scatter [tilespmem:s8], [sflag:$0x2], $0x4000, $0x38;
	[tilespmem:$0x4080] =	vst v63  }
0x22: {  	_ =	swait.ge [sflag:s7], $0x4000  }
0x23: {  	s13 =	smov.u32 s15;
	s11 =	sadd.s32 $0x800, s11;
	[sflag:s7] =	ssyncset.done $0x0  }
0x24: {  	s12 =	sadd.s32 s12, s6;
	[sflag:s7] =	ssyncadd.s32 $0xFFFFC000  }
0x25: {  	[tilespmem:s2], [sflag:$0x2] =	stream.linear.gather [hbm4b:s12+s2], $0x80, $0x38;
	[tilespmem:$0x4080] =	vst v63  }
0x26: {  	_ =	swait.ge [sflag:s7], $0x80  }
0x27: {  	[sflag:s7] =	ssyncset.done $0x0  }
0x28: {  	[sflag:s7] =	ssyncadd.s32 $0xFFFFFF80  }
0x29: {  	[tilespmem:s8], [sflag:$0x1] =	stream.indirect.gather [hbm4b:s3+s8], $0x80, s2, s8, $0xb8;
	[tilespmem:$0x4080] =	vst v63  }
0x2a: {  	s10 =	sadd.s32 $0x1, s10;
	_ =	swait.ge [sflag:s9], $0x4000  }
0x2b: {  	p0 =	sne.s32 s10, s4;
	[sflag:s9] =	ssyncset.done $0x0  }
.Ltmp1:
0x2c: {  	[sflag:s9] =	ssyncadd.s32 $0xFFFFC000;
	(pc) =	sbr.rel @p0 .LBB2_1-.Ltmp1, $4  }
0x2d: {  	[hbm4b:s11+s2] =	stream.linear.scatter [tilespmem:s8], [sflag:$0x2], $0x4000, $0x38;
	[tilespmem:$0x4080] =	vst v63  }
0x2e: {  	_ =	swait.ge [sflag:s7], $0x4000  }
0x2f: {  	[sflag:s7] =	ssyncset.done $0x0  }
0x30: {  	[sflag:s7] =	ssyncadd.s32 $0xFFFFC000  }
0x31: {  	_ =	sfence.sel $0x180000  }
0x32: {  	[bflag:$0x0] =	sbarrier.arrive $0xFFFF  }
0x33: {  	p0 =	sne.s32 s1, $0x0;
	_ =	strace $0x9000004A  }
0x34: {  	s0 =	sadd.s32 @!p0 $0x100000, s0;
	[bflag:$0x2] =	sbarrier.arrive $0xFFFF  }
0x35: {  	[sflag:s0] =	ssyncadd.tile.s32 @!p0 $0x1;
	_ =	shalt  }
.Lfunc_end2:
_tile_overlayer_lowered:
.L_overlay_start_2:
0x36: {  	(tag) =	ssettag $0x2  }
0x37: {  	s0 =	rddreg [dreg:$0x0];
	s2 =	stileid.u32  }
0x38: {  	s1 =	rddreg [dreg:$0x1];
	p0 =	sne.s32 s2, $0x0  }
0x39: {  	s3 =	rddreg [dreg:$0x2];
	[bflag:$0x3] =	sbarrier.arrive $0xFFFF;
	s2 =	simm.s32 @!p0 $0x1C02  }
0x3a: {  	[timem:s3], [sflag:s2] =	dma.local @!p0 [hbm:s0], s1  }
0x3b: {  	s0 =	simm.s32 @!p0 $0x2  }
0x3c: {  	_ =	swait.ge @!p0 [sflag:s0], s1  }
0x3d: {  	s1 =	ssub.s32 @!p0 $0x0, s1;
	[sflag:s0] =	ssyncset.done @!p0 $0x0  }
0x3e: {  	[sflag:s0] =	ssyncadd.s32 @!p0 s1  }
0x3f: {  	[bflag:$0x3] =	sbarrier.arrive $0xFFFF  }
0x40: {  	_ =	shalt  }

// kernel: kernel.20.cloned.1.call-start
scs
__scs_entry_jumppad:
0x0: {  	(pc) =	sbr.rel $0x88, $3  }
0x1: {  	(tag) =	ssettag $0x0;
	lr =	simm.s32 $0x1  }
0x2: {  	[smem:$0x3F9A] =	sst lr;
	_ =	strace $0xD0000000  }
0x3: {  	_ = 	snop  }
0x4: {  	_ = 	snop  }
0x5: {  	_ = 	snop  }
0x6: {  	_ = 	snop  }
0x7: {  	_ = 	snop  }
__scs_overlays_trampoline_lowered:
0x8: {  	[smem:$0x3FA9] =	sst s0  }
0x9: {  	[smem:$0x3FAA] =	sst s1  }
0xa: {  	[smem:$0x3FAB] =	sst s2  }
0xb: {  	[smem:$0x3FAC] =	sst s3  }
0xc: {  	[smem:$0x3FAD] =	sst s4  }
0xd: {  	[smem:$0x3FAE] =	sst s5  }
0xe: {  	[smem:$0x3FAF] =	sst s6  }
0xf: {  	[smem:$0x3FB0] =	sst s7  }
0x10: {  	[smem:$0x3FB1] =	sst s8  }
0x11: {  	[smem:$0x3FB2] =	sst s9;
	s0 =	simm.s32 @!p0 $0x0  }
0x12: {  	s1 =	sld [smem:$0x3F98];
	s0 =	simm.s32 @p0 $0x1  }
0x13: {  	[smem:$0x3FB3] =	sst s0;
	s0 =	simm.s32 @!p1 $0x0  }
0x14: {  	s2 =	sld [smem:$0x3F97];
	s0 =	simm.s32 @p1 $0x1  }
0x15: {  	[smem:$0x3FB4] =	sst s0;
	s0 =	simm.s32 @!p2 $0x0  }
0x16: {  	s3 =	sld [smem:$0x3FDB];
	s0 =	simm.s32 @p2 $0x1  }
0x17: {  	s4 =	simm.s32 $0x1BF5;
	[smem:$0x3FB6] =	sst s0  }
0x18: {  	s0 =	sld [smem:$0x3F99];
	_ =	swait.ge [sflag:s4], $0x0  }
0x19: {  	s7 =	sld [smem:$0x3F9A]  }
0x1a: {  	s8 =	sadd.s32 $0xFFFFE003, lr  }
0x1b: {  	s9 =	sadd.s32 $0xFFFFFEF7, lr;
	s5 =	simm.s32 $0xFFFFFFFF;
	p2 =	slt.u32 s8, $0xFFFFF086  }
0x1c: {  	p1 =	slt.u32 s9, $0xF7A;
	s5 =	simm.s32 @!p2 $0x0  }
0x1d: {  	s5 =	simm.s32 @p1 $0x1;
	p0 =	seq.s32 s7, s2  }
0x1e: {  	s7 =	smul.u32 @!p0 $0xF7A, s2;
	p2 =	seq.s32 @!p0 s5, $0x0  }
0x1f: {  	s9 =	smul.u32 $0xF7A, s1;
	s8 =	simm.s32 @!p0 $0x1BF5;
	p2 =	por !p2, p0  }
0x20: {  	[sflag:s8] =	ssyncset.s32 @!p0 $0xFFFFF086;
	s6 =	sadd.s32 @!p0 s3, s7;
	s7 =	simm.s32 @!p0 $0x108  }
0x21: {  	s3 =	sadd.s32 s3, s9;
	s6 =	sadd.s32 @!p0 $0x88, s6;
	s7 =	simm.s32 @p2 $0x1082  }
0x22: {  	[simem:s7], [sflag:s8] =	dma.local @!p0 [hbm:s6], $0xF7A  }
0x23: {  	s9 =	sor.u32 $0xD0000000, s2;
	s6 =	simm.s32 $0x108;
	_ =	swait.ge @!p0 [sflag:s8], $0x0  }
0x24: {  	s3 =	sadd.s32 $0x88, s3;
	s6 =	simm.s32 @!p1 $0x1082;
	[sflag:s4] =	ssyncset.s32 $0xFFFFF086  }
0x25: {  	[simem:s6], [sflag:s4] =	dma.local [hbm:s3], $0xF7A  }
0x26: {  	[smem:$0x3F9A] =	sst s1;
	(tag) =	ssettag s2;
	_ =	strace s9  }
0x27: {  	s1 =	sld [smem:$0x3FAA]  }
0x28: {  	s2 =	sld [smem:$0x3FAB]  }
0x29: {  	s4 =	sld [smem:$0x3FAD]  }
0x2a: {  	p0 =	seq.s32 s5, $0x0;
	s5 =	sld [smem:$0x3FAE]  }
0x2b: {  	s6 =	sld [smem:$0x3FAF]  }
0x2c: {  	s7 =	sld [smem:$0x3FB0]  }
0x2d: {  	s3 =	simm.s32 $0x108;
	s8 =	sld [smem:$0x3FB1]  }
0x2e: {  	s3 =	simm.s32 @!p0 $0x1082;
	s9 =	sld [smem:$0x3FB2]  }
0x2f: {  	lr =	sadd.s32 s0, s3;
	s0 =	sld [smem:$0x3FA9]  }
0x30: {  	s3 =	sld [smem:$0x3FAC]  }
0x31: {  	[smem:$0x3FB5] =	sst s10  }
0x32: {  	s10 =	sld [smem:$0x3FB3];
	_ =	sdelay $0x3  }
0x33: {  	p0 =	seq.s32 s10, $0x1;
	s10 =	sld [smem:$0x3FB5];
	_ =	sdelay $0x3  }
0x34: {  	[smem:$0x3FB5] =	sst s10  }
0x35: {  	s10 =	sld [smem:$0x3FB4];
	_ =	sdelay $0x3  }
0x36: {  	p1 =	seq.s32 s10, $0x1;
	s10 =	sld [smem:$0x3FB5];
	_ =	sdelay $0x3  }
0x37: {  	[smem:$0x3FB5] =	sst s10  }
0x38: {  	s10 =	sld [smem:$0x3FB6]  }
0x39: {  	_ = 	snop;
	(pc) =	sbr.ind lr, $3  }
0x3a: {  	_ = 	snop  }
0x3b: {  	_ = 	snop  }
0x3c: {  	p2 =	seq.s32 s10, $0x1;
	s10 =	sld [smem:$0x3FB5]  }
0x3d: {  	_ =	shalt  }
0x3e: {  	_ =	shalt  }
0x3f: {  	_ =	shalt  }
0x40: {  	_ =	shalt  }
0x41: {  	_ =	shalt  }
0x42: {  	_ =	shalt  }
0x43: {  	_ =	shalt  }
0x44: {  	_ =	shalt  }
0x45: {  	_ =	shalt  }
0x46: {  	_ =	shalt  }
0x47: {  	_ =	shalt  }
0x48: {  	_ =	shalt  }
0x49: {  	_ =	shalt  }
0x4a: {  	_ =	shalt  }
0x4b: {  	_ =	shalt  }
0x4c: {  	_ =	shalt  }
0x4d: {  	_ =	shalt  }
0x4e: {  	_ =	shalt  }
0x4f: {  	_ =	shalt  }
0x50: {  	_ =	shalt  }
0x51: {  	_ =	shalt  }
0x52: {  	_ =	shalt  }
0x53: {  	_ =	shalt  }
0x54: {  	_ =	shalt  }
0x55: {  	_ =	shalt  }
0x56: {  	_ =	shalt  }
0x57: {  	_ =	shalt  }
0x58: {  	_ =	shalt  }
0x59: {  	_ =	shalt  }
0x5a: {  	_ =	shalt  }
0x5b: {  	_ =	shalt  }
0x5c: {  	_ =	shalt  }
0x5d: {  	_ =	shalt  }
0x5e: {  	_ =	shalt  }
0x5f: {  	_ =	shalt  }
0x60: {  	_ =	shalt  }
0x61: {  	_ =	shalt  }
0x62: {  	_ =	shalt  }
0x63: {  	_ =	shalt  }
0x64: {  	_ =	shalt  }
0x65: {  	_ =	shalt  }
0x66: {  	_ =	shalt  }
0x67: {  	_ =	shalt  }
0x68: {  	_ =	shalt  }
0x69: {  	_ =	shalt  }
0x6a: {  	_ =	shalt  }
0x6b: {  	_ =	shalt  }
0x6c: {  	_ =	shalt  }
0x6d: {  	_ =	shalt  }
0x6e: {  	_ =	shalt  }
0x6f: {  	_ =	shalt  }
0x70: {  	_ =	shalt  }
0x71: {  	_ =	shalt  }
0x72: {  	_ =	shalt  }
0x73: {  	_ =	shalt  }
0x74: {  	_ =	shalt  }
0x75: {  	_ =	shalt  }
0x76: {  	_ =	shalt  }
0x77: {  	_ =	shalt  }
0x78: {  	_ =	shalt  }
0x79: {  	_ =	shalt  }
0x7a: {  	_ =	shalt  }
0x7b: {  	_ =	shalt  }
0x7c: {  	_ =	shalt  }
0x7d: {  	_ =	shalt  }
0x7e: {  	_ =	shalt  }
0x7f: {  	_ =	shalt  }
0x80: {  	_ =	shalt  }
0x81: {  	_ =	shalt  }
0x82: {  	_ =	shalt  }
0x83: {  	_ =	shalt  }
0x84: {  	_ =	shalt  }
0x85: {  	_ =	shalt  }
0x86: {  	_ =	shalt  }
0x87: {  	_ =	shalt  }
.Lfunc_end0:
.L_simem_size_0:
called_computation.2_lowered:
.L_overlay_start_0:
0x88: {  	s2 =	sld [smem:$0x3FD9]  }
0x89: {  	s3 =	sld [smem:$0x3FFE];
	_ =	sdelay $0x1  }
0x8a: {  	s1 =	srdreg.scid  }
0x8b: {  	s0 =	sand.u32 $0x1, s1  }
0x8c: {  	s17 =	sshll.u32 s0, $0xA;
	s2 =	sadd.s32 s3, s2  }
0x8d: {  	s2 =	sadd.s32 s2, s17  }
0x8e: {  	[smem:$0x3FC1] =	sst s2  }
0x8f: {  	_ = 	snop  }
0x90: {  	(tm) =	ssettm $0x1  }
0x91: {  	s18 =	sld [smem:$0x3FFB];
	_ =	sdelay $0x3  }
0x92: {  	_ =	strace s18  }
0x93: {  	s2 =	sld [smem:$0x3FFC];
	_ =	sdelay $0x3  }
0x94: {  	_ =	strace s2  }
0x95: {  	s2 =	sld [smem:$0x3FFD];
	_ =	sdelay $0x3  }
0x96: {  	_ =	strace s2  }
0x97: {  	_ =	strace $0x8FFFFFFF  }
0x98: {  	s19 =	sld [smem:$0x3FDB];
	_ =	sdelay $0x1  }
0x99: {  	s20 =	simm.s32 $_scs_section_size  }
0x9a: {  	s4 =	simm.s32 $_size__tile_overlayer_lowered;
	s5 =	simm.s32 $_tile_overlayer_lowered  }
0x9b: {  	s6 =	simm.s32 $0x1BFF;
	s21 =	sshll.u32 s5, $0x1;
	s3 =	sadd.s32 s20, s19  }
0x9c: {  	s22 =	simm.s32 $0x0;
	s4 =	sshll.u32 s4, $0x1;
	s5 =	sadd.s32 s21, s3  }
0x9d: {  	[timem:s22], [sflag:s6] =	dma.local [hbm:s5], s4  }
0x9e: {  	_ =	swait.ge [sflag:s6], s4  }
0x9f: {  	s4 =	ssub.s32 $0x0, s4;
	[sflag:s6] =	ssyncset.done $0x0  }
0xa0: {  	[sflag:s6] =	ssyncadd.s32 s4;
	_ =	sdelay $0x1  }
0xa1: {  	s23 =	simm.s32 $0x1B8B  }
0xa2: {  	_ =	swait.ge [sflag:s23], $0x1  }
0xa3: {  	[sflag:s23] =	ssyncset.done $0x0  }
0xa4: {  	[sflag:s23] =	ssyncadd.s32 $0xFFFFFFFF  }
0xa5: {  	s4 =	sld [smem:$0x0]  }
0xa6: {  	s5 =	sand.u32 $0xFFFFFFFE, s1  }
0xa7: {  	p0 =	sne.s32 s1, s5  }
0xa8: {  	s5 =	sshll.u32 @p0 s5, $0xE  }
0xa9: {  	s5 =	sadd.s32 @p0 $0x11B8D, s5;
	s6 =	sshll.u32 @p0 s4, $0x11  }
0xaa: {  	s5 =	sor.u32 @p0 s6, s5  }
0xab: {  	[sflag:s5] =	ssyncadd.remote.s32 @p0 $0x1;
	_ =	sdelay $0x1  }
0xac: {  	s5 =	simm.s32 @p0 $0x1B8D  }
0xad: {  	_ =	swait.eq @p0 [sflag:s5], $0x1  }
0xae: {  	[sflag:s5] =	ssyncadd.s32 @p0 $0xFFFFFFFF  }
0xaf: {  	s6 =	sshll.u32 @!p0 s1, $0xE  }
0xb0: {  	s6 =	sor.u32 @!p0 $0x4000, s6;
	s5 =	simm.s32 @!p0 $0x1B8D  }
0xb1: {  	s4 =	sshll.u32 @!p0 s4, $0x11;
	s6 =	sadd.s32 @!p0 $0x11B8D, s6;
	_ =	swait.eq @!p0 [sflag:s5], $0x1  }
0xb2: {  	s4 =	sor.u32 @!p0 s4, s6;
	[sflag:s5] =	ssyncadd.s32 @!p0 $0xFFFFFFFF  }
0xb3: {  	s25 =	simm.s32 $0x1B8E;
	s24 =	sld [smem:$0x3FFE];
	[sflag:s4] =	ssyncadd.remote.s32 @!p0 $0x1  }
0xb4: {  	s26 =	simm.s32 $execute0_lowered;
	[smem:$0x3FD2] =	sst s25  }
0xb5: {  	s5 =	sshll.u32 s26, $0x1;
	_ =	strace $0x8000004C;
	[dreg:$0x1] =	wrdreg $0xFFFFFFFF  }
0xb6: {  	s28 =	simm.s32 $_size_execute0_lowered;
	s3 =	sadd.s32 s3, s5;
	[dreg:$0x0] =	wrdreg $0x0  }
0xb7: {  	s5 =	sshll.u32 s28, $0x1;
	[dreg:$0x2] =	wrdreg s3  }
0xb8: {  	[dreg:$0x3] =	wrdreg s5  }
0xb9: {  	[dreg:$0x4] =	wrdreg $0xC0  }
0xba: {  	_ =	task [dreg:s22], $0x5FFFF  }
0xbb: {  	[dreg:$0x1] =	wrdreg $0xFFFFFFFF  }
0xbc: {  	[dreg:$0x0] =	wrdreg $0x60  }
0xbd: {  	[dreg:$0x2] =	wrdreg s24  }
0xbe: {  	[dreg:$0x3] =	wrdreg $0xB  }
0xbf: {  	_ =	task.clear_ibuf [dreg:s22], $0x4FFFF;
	_ =	strace $0x9000004C  }
0xc0: {  	s29 =	simm.s32 $0xB;
	_ =	strace $0x8000004E  }
0xc1: {  	_ =	swait.ge [sflag:s29], $0x1  }
0xc2: {  	[sflag:s29] =	ssyncadd.s32 $0xFFFFFFFF  }
0xc3: {  	_ =	strace $0x9000004E  }
0xc4: {  	_ =	sfence  }
0xc5: {  	s30 =	sld [smem:$0x0];
	_ =	sdelay $0x2  }
0xc6: {  	s31 =	sshll.u32 s1, $0xD;
	s1 =	sshrl.u32 s1, $0x2  }
0xc7: {  	s4 =	sand.u32 $0x4000, s31;
	s1 =	sadd.s32 s1, s30  }
0xc8: {  	s0 =	sor.u32 s4, s0;
	s1 =	sshll.u32 s1, $0x11  }
0xc9: {  	s0 =	sor.u32 s1, s0  }
0xca: {  	s0 =	sadd.s32 $0x8F2B, s0  }
0xcb: {  	[sflag:s0] =	ssyncadd.remote.s32 $0x1  }
0xcc: {  	_ =	sfence.sel $0xFFFF  }
0xcd: {  	[dreg:$0x0] =	wrdreg $0xFFFFFFFF;
	(pc) =	sbr.abs _section_cstart, $3  }
0xce: {  	[dreg:$0x1] =	wrdreg $0xFFFFFFFF  }
0xcf: {  	_ =	task.clear_ibuf [dreg:s22], $0x2FFFF;
	_ =	strace $0x9FFFFFFF  }
0xd0: {  	(tm) =	ssettm $0x7FFFFFFF  }
0xd1: {  	_ =	shalt  }
tec
execute0_lowered:
.L_overlay_start_1:
0x0: {  	(tag) =	ssettag $0x1  }
0x1: {  	s4 =	rddreg [dreg:$0x0]  }
0x2: {  	s0 =	rddreg [dreg:$0x1];
	s2 =	simm.s32 $0x0;
	s3 =	srdreg.scid  }
0x3: {  	s1 =	stileid.u32;
	s10 =	simm.s32 $0x0;
	[smem:$0x7FF] =	sst s2  }
0x4: {  	s5 =	sand.u32 $0x1, s3;
	s6 =	sshll.u32 s1, $0xC;
	s3 =	sadd.s32 $0x238000, s4  }
0x5: {  	s8 =	sshll.u32 s1, $0x10;
	_ =	strace $0x8000004D;
	s7 =	sshll.u32 s5, $0xB  }
0x6: {  	s31 =	ssub.s32 $0x2, s5;
	s8 =	sadd.s32 s8, s4;
	s5 =	sshll.u32 s5, $0xF  }
0x7: {  	s6 =	sor.u32 s7, s6;
	s9 =	sshrl.u32 s31, $0x1;
	s5 =	sadd.s32 s5, s8  }
0x8: {  	s8 =	simm.s32 $0x80;
	s6 =	sshrl.u32 s6, $0x3;
	s7 =	ssub.s32 s31, s9  }
0x9: {  	s5 =	sadd.s32 $0x24A000, s5;
	s9 =	simm.s32 $0x1;
	s6 =	sadd.s32 s6, s4  }
0xa: {  	s4 =	smax.u32 s7, $0x1;
	s7 =	simm.s32 $0x2;
	s6 =	sadd.s32 $0x248000, s6  }
.LBB2_1:
0xb: {  	s11 =	sadd.s32 $0x0, s6  }
0xc: {  	[tilespmem:s2], [sflag:$0x2] =	stream.linear.gather [hbm4b:s11+s2], $0x80, $0x38;
	[tilespmem:$0x4080] =	vst v63  }
0xd: {  	_ =	swait.ge [sflag:s7], $0x80  }
0xe: {  	[sflag:s7] =	ssyncset.done $0x0  }
0xf: {  	[sflag:s7] =	ssyncadd.s32 $0xFFFFFF80  }
0x10: {  	[tilespmem:s8], [sflag:$0x1] =	stream.indirect.gather [hbm4b:s3+s8], $0x80, s2, s8, $0xb8;
	[tilespmem:$0x4080] =	vst v63  }
0x11: {  	_ =	swait.ge [sflag:s9], $0x4000  }
0x12: {  	[sflag:s9] =	ssyncset.done $0x0  }
0x13: {  	[sflag:s9] =	ssyncadd.s32 $0xFFFFC000  }
0x14: {  	[hbm4b:s5+s2] =	stream.linear.scatter [tilespmem:s8], [sflag:$0x2], $0x4000, $0x38;
	[tilespmem:$0x4080] =	vst v63  }
0x15: {  	s12 =	simm.s32 $0x10;
	_ =	swait.ge [sflag:s7], $0x4000  }
0x16: {  	s13 =	simm.s32 $0x20;
	s11 =	sadd.s32 $0x800, s5;
	[sflag:s7] =	ssyncset.done $0x0  }
.LBB2_2:
0x17: {  	s14 =	sadd.s32 s12, s6  }
0x18: {  	[sflag:s7] =	ssyncadd.s32 $0xFFFFC000;
	s12 =	smov.u32 s13;
	s15 =	sadd.s32 $0x10, s13  }
0x19: {  	[tilespmem:s2], [sflag:$0x2] =	stream.linear.gather [hbm4b:s14+s2], $0x80, $0x38;
	[tilespmem:$0x4080] =	vst v63  }
0x1a: {  	p0 =	sne.s32 s13, $0xF0;
	_ =	swait.ge [sflag:s7], $0x80  }
0x1b: {  	[sflag:s7] =	ssyncset.done $0x0  }
0x1c: {  	[sflag:s7] =	ssyncadd.s32 $0xFFFFFF80  }
0x1d: {  	[tilespmem:s8], [sflag:$0x1] =	stream.indirect.gather [hbm4b:s3+s8], $0x80, s2, s8, $0xb8;
	[tilespmem:$0x4080] =	vst v63  }
0x1e: {  	_ =	swait.ge [sflag:s9], $0x4000  }
.Ltmp0:
0x1f: {  	[sflag:s9] =	ssyncset.done $0x0;
	(pc) =	sbr.rel @p0 .LBB2_2-.Ltmp0, $4  }
0x20: {  	[sflag:s9] =	ssyncadd.s32 $0xFFFFC000  }
0x21: {  	[hbm4b:s11+s2] =	stream.linear.scatter [tilespmem:s8], [sflag:$0x2], $0x4000, $0x38;
	[tilespmem:$0x4080] =	vst v63  }
0x22: {  	_ =	swait.ge [sflag:s7], $0x4000  }
0x23: {  	s13 =	smov.u32 s15;
	s11 =	sadd.s32 $0x800, s11;
	[sflag:s7] =	ssyncset.done $0x0  }
0x24: {  	s12 =	sadd.s32 s12, s6;
	[sflag:s7] =	ssyncadd.s32 $0xFFFFC000  }
0x25: {  	[tilespmem:s2], [sflag:$0x2] =	stream.linear.gather [hbm4b:s12+s2], $0x80, $0x38;
	[tilespmem:$0x4080] =	vst v63  }
0x26: {  	_ =	swait.ge [sflag:s7], $0x80  }
0x27: {  	[sflag:s7] =	ssyncset.done $0x0  }
0x28: {  	[sflag:s7] =	ssyncadd.s32 $0xFFFFFF80  }
0x29: {  	[tilespmem:s8], [sflag:$0x1] =	stream.indirect.gather [hbm4b:s3+s8], $0x80, s2, s8, $0xb8;
	[tilespmem:$0x4080] =	vst v63  }
0x2a: {  	s10 =	sadd.s32 $0x1, s10;
	_ =	swait.ge [sflag:s9], $0x4000  }
0x2b: {  	p0 =	sne.s32 s10, s4;
	[sflag:s9] =	ssyncset.done $0x0  }
.Ltmp1:
0x2c: {  	[sflag:s9] =	ssyncadd.s32 $0xFFFFC000;
	(pc) =	sbr.rel @p0 .LBB2_1-.Ltmp1, $4  }
0x2d: {  	[hbm4b:s11+s2] =	stream.linear.scatter [tilespmem:s8], [sflag:$0x2], $0x4000, $0x38;
	[tilespmem:$0x4080] =	vst v63  }
0x2e: {  	_ =	swait.ge [sflag:s7], $0x4000  }
0x2f: {  	[sflag:s7] =	ssyncset.done $0x0  }
0x30: {  	[sflag:s7] =	ssyncadd.s32 $0xFFFFC000  }
0x31: {  	_ =	sfence.sel $0x180000  }
0x32: {  	[bflag:$0x0] =	sbarrier.arrive $0xFFFF  }
0x33: {  	p0 =	sne.s32 s1, $0x0;
	_ =	strace $0x9000004D  }
0x34: {  	s0 =	sadd.s32 @!p0 $0x100000, s0;
	[bflag:$0x2] =	sbarrier.arrive $0xFFFF  }
0x35: {  	[sflag:s0] =	ssyncadd.tile.s32 @!p0 $0x1;
	_ =	shalt  }
.Lfunc_end2:
_tile_overlayer_lowered:
.L_overlay_start_2:
0x36: {  	(tag) =	ssettag $0x2  }
0x37: {  	s0 =	rddreg [dreg:$0x0];
	s2 =	stileid.u32  }
0x38: {  	s1 =	rddreg [dreg:$0x1];
	p0 =	sne.s32 s2, $0x0  }
0x39: {  	s3 =	rddreg [dreg:$0x2];
	[bflag:$0x3] =	sbarrier.arrive $0xFFFF;
	s2 =	simm.s32 @!p0 $0x1C02  }
0x3a: {  	[timem:s3], [sflag:s2] =	dma.local @!p0 [hbm:s0], s1  }
0x3b: {  	s0 =	simm.s32 @!p0 $0x2  }
0x3c: {  	_ =	swait.ge @!p0 [sflag:s0], s1  }
0x3d: {  	s1 =	ssub.s32 @!p0 $0x0, s1;
	[sflag:s0] =	ssyncset.done @!p0 $0x0  }
0x3e: {  	[sflag:s0] =	ssyncadd.s32 @!p0 s1  }
0x3f: {  	[bflag:$0x3] =	sbarrier.arrive $0xFFFF  }
0x40: {  	_ =	shalt  }

// kernel: kernel.23.cloned.1.call-start
scs
__scs_entry_jumppad:
0x0: {  	(pc) =	sbr.rel $0x88, $3  }
0x1: {  	(tag) =	ssettag $0x0;
	lr =	simm.s32 $0x1  }
0x2: {  	[smem:$0x3F9A] =	sst lr;
	_ =	strace $0xD0000000  }
0x3: {  	_ = 	snop  }
0x4: {  	_ = 	snop  }
0x5: {  	_ = 	snop  }
0x6: {  	_ = 	snop  }
0x7: {  	_ = 	snop  }
__scs_overlays_trampoline_lowered:
0x8: {  	[smem:$0x3FA9] =	sst s0  }
0x9: {  	[smem:$0x3FAA] =	sst s1  }
0xa: {  	[smem:$0x3FAB] =	sst s2  }
0xb: {  	[smem:$0x3FAC] =	sst s3  }
0xc: {  	[smem:$0x3FAD] =	sst s4  }
0xd: {  	[smem:$0x3FAE] =	sst s5  }
0xe: {  	[smem:$0x3FAF] =	sst s6  }
0xf: {  	[smem:$0x3FB0] =	sst s7  }
0x10: {  	[smem:$0x3FB1] =	sst s8  }
0x11: {  	[smem:$0x3FB2] =	sst s9;
	s0 =	simm.s32 @!p0 $0x0  }
0x12: {  	s1 =	sld [smem:$0x3F98];
	s0 =	simm.s32 @p0 $0x1  }
0x13: {  	[smem:$0x3FB3] =	sst s0;
	s0 =	simm.s32 @!p1 $0x0  }
0x14: {  	s2 =	sld [smem:$0x3F97];
	s0 =	simm.s32 @p1 $0x1  }
0x15: {  	[smem:$0x3FB4] =	sst s0;
	s0 =	simm.s32 @!p2 $0x0  }
0x16: {  	s3 =	sld [smem:$0x3FDB];
	s0 =	simm.s32 @p2 $0x1  }
0x17: {  	s4 =	simm.s32 $0x1BF5;
	[smem:$0x3FB6] =	sst s0  }
0x18: {  	s0 =	sld [smem:$0x3F99];
	_ =	swait.ge [sflag:s4], $0x0  }
0x19: {  	s7 =	sld [smem:$0x3F9A]  }
0x1a: {  	s8 =	sadd.s32 $0xFFFFE003, lr  }
0x1b: {  	s9 =	sadd.s32 $0xFFFFFEF7, lr;
	s5 =	simm.s32 $0xFFFFFFFF;
	p2 =	slt.u32 s8, $0xFFFFF086  }
0x1c: {  	p1 =	slt.u32 s9, $0xF7A;
	s5 =	simm.s32 @!p2 $0x0  }
0x1d: {  	s5 =	simm.s32 @p1 $0x1;
	p0 =	seq.s32 s7, s2  }
0x1e: {  	s7 =	smul.u32 @!p0 $0xF7A, s2;
	p2 =	seq.s32 @!p0 s5, $0x0  }
0x1f: {  	s9 =	smul.u32 $0xF7A, s1;
	s8 =	simm.s32 @!p0 $0x1BF5;
	p2 =	por !p2, p0  }
0x20: {  	[sflag:s8] =	ssyncset.s32 @!p0 $0xFFFFF086;
	s6 =	sadd.s32 @!p0 s3, s7;
	s7 =	simm.s32 @!p0 $0x108  }
0x21: {  	s3 =	sadd.s32 s3, s9;
	s6 =	sadd.s32 @!p0 $0x88, s6;
	s7 =	simm.s32 @p2 $0x1082  }
0x22: {  	[simem:s7], [sflag:s8] =	dma.local @!p0 [hbm:s6], $0xF7A  }
0x23: {  	s9 =	sor.u32 $0xD0000000, s2;
	s6 =	simm.s32 $0x108;
	_ =	swait.ge @!p0 [sflag:s8], $0x0  }
0x24: {  	s3 =	sadd.s32 $0x88, s3;
	s6 =	simm.s32 @!p1 $0x1082;
	[sflag:s4] =	ssyncset.s32 $0xFFFFF086  }
0x25: {  	[simem:s6], [sflag:s4] =	dma.local [hbm:s3], $0xF7A  }
0x26: {  	[smem:$0x3F9A] =	sst s1;
	(tag) =	ssettag s2;
	_ =	strace s9  }
0x27: {  	s1 =	sld [smem:$0x3FAA]  }
0x28: {  	s2 =	sld [smem:$0x3FAB]  }
0x29: {  	s4 =	sld [smem:$0x3FAD]  }
0x2a: {  	p0 =	seq.s32 s5, $0x0;
	s5 =	sld [smem:$0x3FAE]  }
0x2b: {  	s6 =	sld [smem:$0x3FAF]  }
0x2c: {  	s7 =	sld [smem:$0x3FB0]  }
0x2d: {  	s3 =	simm.s32 $0x108;
	s8 =	sld [smem:$0x3FB1]  }
0x2e: {  	s3 =	simm.s32 @!p0 $0x1082;
	s9 =	sld [smem:$0x3FB2]  }
0x2f: {  	lr =	sadd.s32 s0, s3;
	s0 =	sld [smem:$0x3FA9]  }
0x30: {  	s3 =	sld [smem:$0x3FAC]  }
0x31: {  	[smem:$0x3FB5] =	sst s10  }
0x32: {  	s10 =	sld [smem:$0x3FB3];
	_ =	sdelay $0x3  }
0x33: {  	p0 =	seq.s32 s10, $0x1;
	s10 =	sld [smem:$0x3FB5];
	_ =	sdelay $0x3  }
0x34: {  	[smem:$0x3FB5] =	sst s10  }
0x35: {  	s10 =	sld [smem:$0x3FB4];
	_ =	sdelay $0x3  }
0x36: {  	p1 =	seq.s32 s10, $0x1;
	s10 =	sld [smem:$0x3FB5];
	_ =	sdelay $0x3  }
0x37: {  	[smem:$0x3FB5] =	sst s10  }
0x38: {  	s10 =	sld [smem:$0x3FB6]  }
0x39: {  	_ = 	snop;
	(pc) =	sbr.ind lr, $3  }
0x3a: {  	_ = 	snop  }
0x3b: {  	_ = 	snop  }
0x3c: {  	p2 =	seq.s32 s10, $0x1;
	s10 =	sld [smem:$0x3FB5]  }
0x3d: {  	_ =	shalt  }
0x3e: {  	_ =	shalt  }
0x3f: {  	_ =	shalt  }
0x40: {  	_ =	shalt  }
0x41: {  	_ =	shalt  }
0x42: {  	_ =	shalt  }
0x43: {  	_ =	shalt  }
0x44: {  	_ =	shalt  }
0x45: {  	_ =	shalt  }
0x46: {  	_ =	shalt  }
0x47: {  	_ =	shalt  }
0x48: {  	_ =	shalt  }
0x49: {  	_ =	shalt  }
0x4a: {  	_ =	shalt  }
0x4b: {  	_ =	shalt  }
0x4c: {  	_ =	shalt  }
0x4d: {  	_ =	shalt  }
0x4e: {  	_ =	shalt  }
0x4f: {  	_ =	shalt  }
0x50: {  	_ =	shalt  }
0x51: {  	_ =	shalt  }
0x52: {  	_ =	shalt  }
0x53: {  	_ =	shalt  }
0x54: {  	_ =	shalt  }
0x55: {  	_ =	shalt  }
0x56: {  	_ =	shalt  }
0x57: {  	_ =	shalt  }
0x58: {  	_ =	shalt  }
0x59: {  	_ =	shalt  }
0x5a: {  	_ =	shalt  }
0x5b: {  	_ =	shalt  }
0x5c: {  	_ =	shalt  }
0x5d: {  	_ =	shalt  }
0x5e: {  	_ =	shalt  }
0x5f: {  	_ =	shalt  }
0x60: {  	_ =	shalt  }
0x61: {  	_ =	shalt  }
0x62: {  	_ =	shalt  }
0x63: {  	_ =	shalt  }
0x64: {  	_ =	shalt  }
0x65: {  	_ =	shalt  }
0x66: {  	_ =	shalt  }
0x67: {  	_ =	shalt  }
0x68: {  	_ =	shalt  }
0x69: {  	_ =	shalt  }
0x6a: {  	_ =	shalt  }
0x6b: {  	_ =	shalt  }
0x6c: {  	_ =	shalt  }
0x6d: {  	_ =	shalt  }
0x6e: {  	_ =	shalt  }
0x6f: {  	_ =	shalt  }
0x70: {  	_ =	shalt  }
0x71: {  	_ =	shalt  }
0x72: {  	_ =	shalt  }
0x73: {  	_ =	shalt  }
0x74: {  	_ =	shalt  }
0x75: {  	_ =	shalt  }
0x76: {  	_ =	shalt  }
0x77: {  	_ =	shalt  }
0x78: {  	_ =	shalt  }
0x79: {  	_ =	shalt  }
0x7a: {  	_ =	shalt  }
0x7b: {  	_ =	shalt  }
0x7c: {  	_ =	shalt  }
0x7d: {  	_ =	shalt  }
0x7e: {  	_ =	shalt  }
0x7f: {  	_ =	shalt  }
0x80: {  	_ =	shalt  }
0x81: {  	_ =	shalt  }
0x82: {  	_ =	shalt  }
0x83: {  	_ =	shalt  }
0x84: {  	_ =	shalt  }
0x85: {  	_ =	shalt  }
0x86: {  	_ =	shalt  }
0x87: {  	_ =	shalt  }
.Lfunc_end0:
.L_simem_size_0:
called_computation.3_lowered:
.L_overlay_start_0:
0x88: {  	s2 =	sld [smem:$0x3FD9]  }
0x89: {  	s3 =	sld [smem:$0x3FFE];
	_ =	sdelay $0x1  }
0x8a: {  	s1 =	srdreg.scid  }
0x8b: {  	s0 =	sand.u32 $0x1, s1  }
0x8c: {  	s17 =	sshll.u32 s0, $0xA;
	s2 =	sadd.s32 s3, s2  }
0x8d: {  	s2 =	sadd.s32 s2, s17  }
0x8e: {  	[smem:$0x3FC1] =	sst s2  }
0x8f: {  	_ = 	snop  }
0x90: {  	s18 =	sld [smem:$0x3FD0];
	(tm) =	ssettm $0x1  }
0x91: {  	s19 =	sld [smem:$0x3FFB];
	_ =	sdelay $0x3  }
0x92: {  	_ =	strace s19  }
0x93: {  	s2 =	sld [smem:$0x3FFC];
	_ =	sdelay $0x3  }
0x94: {  	_ =	strace s2  }
0x95: {  	s2 =	sld [smem:$0x3FFD];
	_ =	sdelay $0x3  }
0x96: {  	_ =	strace s2  }
0x97: {  	_ =	strace $0x8FFFFFFF  }
0x98: {  	s20 =	sld [smem:$0x3FDB];
	_ =	sdelay $0x1  }
0x99: {  	s4 =	simm.s32 $_scs_section_size  }
0x9a: {  	s5 =	simm.s32 $_size__tile_overlayer_lowered;
	s6 =	simm.s32 $_tile_overlayer_lowered  }
0x9b: {  	s7 =	simm.s32 $0x1BFF;
	s21 =	sshll.u32 s6, $0x1;
	s4 =	sadd.s32 s4, s20  }
0x9c: {  	s22 =	simm.s32 $0x0;
	s5 =	sshll.u32 s5, $0x1;
	s6 =	sadd.s32 s21, s4  }
0x9d: {  	[timem:s22], [sflag:s7] =	dma.local [hbm:s6], s5  }
0x9e: {  	_ =	swait.ge [sflag:s7], s5  }
0x9f: {  	s5 =	ssub.s32 $0x0, s5;
	[sflag:s7] =	ssyncset.done $0x0  }
0xa0: {  	[sflag:s7] =	ssyncadd.s32 s5;
	_ =	sdelay $0x1  }
0xa1: {  	s23 =	simm.s32 $0x1B8B  }
0xa2: {  	_ =	swait.ge [sflag:s23], $0x1  }
0xa3: {  	[sflag:s23] =	ssyncset.done $0x0  }
0xa4: {  	[sflag:s23] =	ssyncadd.s32 $0xFFFFFFFF  }
0xa5: {  	s5 =	sld [smem:$0x0]  }
0xa6: {  	s6 =	sand.u32 $0xFFFFFFFE, s1  }
0xa7: {  	p0 =	sne.s32 s1, s6  }
0xa8: {  	s6 =	sshll.u32 @p0 s6, $0xE  }
0xa9: {  	s6 =	sadd.s32 @p0 $0x11B8D, s6;
	s7 =	sshll.u32 @p0 s5, $0x11  }
0xaa: {  	s6 =	sor.u32 @p0 s7, s6  }
0xab: {  	[sflag:s6] =	ssyncadd.remote.s32 @p0 $0x1;
	_ =	sdelay $0x1  }
0xac: {  	s6 =	simm.s32 @p0 $0x1B8D  }
0xad: {  	_ =	swait.eq @p0 [sflag:s6], $0x1  }
0xae: {  	[sflag:s6] =	ssyncadd.s32 @p0 $0xFFFFFFFF  }
0xaf: {  	s7 =	sshll.u32 @!p0 s1, $0xE  }
0xb0: {  	s7 =	sor.u32 @!p0 $0x4000, s7;
	s6 =	simm.s32 @!p0 $0x1B8D  }
0xb1: {  	s5 =	sshll.u32 @!p0 s5, $0x11;
	s7 =	sadd.s32 @!p0 $0x11B8D, s7;
	_ =	swait.eq @!p0 [sflag:s6], $0x1  }
0xb2: {  	s5 =	sor.u32 @!p0 s5, s7;
	[sflag:s6] =	ssyncadd.s32 @!p0 $0xFFFFFFFF  }
0xb3: {  	s25 =	simm.s32 $0x1B8E;
	s24 =	sld [smem:$0x3FFE];
	[sflag:s5] =	ssyncadd.remote.s32 @!p0 $0x1  }
0xb4: {  	s26 =	simm.s32 $execute0_lowered;
	[smem:$0x3FD2] =	sst s25  }
0xb5: {  	s6 =	sshll.u32 s26, $0x1;
	_ =	strace $0x8000004F;
	[dreg:$0x1] =	wrdreg $0xFFFFFFFF  }
0xb6: {  	s28 =	simm.s32 $_size_execute0_lowered;
	s4 =	sadd.s32 s4, s6;
	[dreg:$0x0] =	wrdreg $0x0  }
0xb7: {  	s6 =	sshll.u32 s28, $0x1;
	[dreg:$0x2] =	wrdreg s4  }
0xb8: {  	[dreg:$0x3] =	wrdreg s6  }
0xb9: {  	[dreg:$0x4] =	wrdreg $0xC0  }
0xba: {  	_ =	task [dreg:s22], $0x5FFFF  }
0xbb: {  	[dreg:$0x1] =	wrdreg $0xFFFFFFFF  }
0xbc: {  	[dreg:$0x0] =	wrdreg $0x60  }
0xbd: {  	[dreg:$0x2] =	wrdreg s18  }
0xbe: {  	[dreg:$0x3] =	wrdreg s24  }
0xbf: {  	[dreg:$0x4] =	wrdreg $0xC  }
0xc0: {  	_ =	task.clear_ibuf [dreg:s22], $0x5FFFF;
	_ =	strace $0x9000004F  }
0xc1: {  	s29 =	simm.s32 $0xC;
	_ =	strace $0x80000051  }
0xc2: {  	_ =	swait.ge [sflag:s29], $0x1  }
0xc3: {  	[sflag:s29] =	ssyncadd.s32 $0xFFFFFFFF  }
0xc4: {  	_ =	strace $0x90000051  }
0xc5: {  	_ =	sfence  }
0xc6: {  	s30 =	sld [smem:$0x0];
	_ =	sdelay $0x2  }
0xc7: {  	s31 =	sshll.u32 s1, $0xD;
	s1 =	sshrl.u32 s1, $0x2  }
0xc8: {  	s4 =	sand.u32 $0x4000, s31;
	s1 =	sadd.s32 s1, s30  }
0xc9: {  	s0 =	sor.u32 s4, s0;
	s1 =	sshll.u32 s1, $0x11  }
0xca: {  	s0 =	sor.u32 s1, s0  }
0xcb: {  	s0 =	sadd.s32 $0x8F2B, s0  }
0xcc: {  	[sflag:s0] =	ssyncadd.remote.s32 $0x1  }
0xcd: {  	_ =	sfence.sel $0xFFFF  }
0xce: {  	[dreg:$0x0] =	wrdreg $0xFFFFFFFF;
	(pc) =	sbr.abs _section_cstart, $3  }
0xcf: {  	[dreg:$0x1] =	wrdreg $0xFFFFFFFF  }
0xd0: {  	_ =	task.clear_ibuf [dreg:s22], $0x2FFFF;
	_ =	strace $0x9FFFFFFF  }
0xd1: {  	(tm) =	ssettm $0x7FFFFFFF  }
tec
execute0_lowered:
.L_overlay_start_1:
0x0: {  	(tag) =	ssettag $0x1  }
0x1: {  	s1 =	rddreg [dreg:$0x0]  }
0x2: {  	s4 =	rddreg [dreg:$0x1]  }
0x3: {  	s0 =	rddreg [dreg:$0x2];
	s5 =	srdreg.scid  }
0x4: {  	s3 =	simm.s32 $0x0;
	s2 =	stileid.u32;
	s10 =	simm.s32 $0x0  }
0x5: {  	s5 =	sand.u32 $0x1, s5;
	[smem:$0x7FF] =	sst s3;
	s6 =	sshll.u32 s2, $0xC  }
0x6: {  	s8 =	sshll.u32 s2, $0x10;
	s7 =	sshll.u32 s5, $0xB;
	_ =	strace $0x80000050  }
0x7: {  	s31 =	ssub.s32 $0x2, s5;
	s8 =	sadd.s32 s8, s4;
	s5 =	sshll.u32 s5, $0xF  }
0x8: {  	s6 =	sor.u32 s7, s6;
	s9 =	sshrl.u32 s31, $0x1;
	s5 =	sadd.s32 s5, s8  }
0x9: {  	s8 =	simm.s32 $0x80;
	s6 =	sshrl.u32 s6, $0x3;
	s7 =	ssub.s32 s31, s9  }
0xa: {  	s5 =	sadd.s32 $0x34C000, s5;
	s9 =	simm.s32 $0x1;
	s6 =	sadd.s32 s6, s4  }
0xb: {  	s4 =	smax.u32 s7, $0x1;
	s7 =	simm.s32 $0x2;
	s6 =	sadd.s32 $0x34A000, s6  }
.LBB2_1:
0xc: {  	s11 =	sadd.s32 $0x0, s6  }
0xd: {  	[tilespmem:s3], [sflag:$0x2] =	stream.linear.gather [hbm4b:s11+s3], $0x80, $0x38;
	[tilespmem:$0x4080] =	vst v63  }
0xe: {  	_ =	swait.ge [sflag:s7], $0x80  }
0xf: {  	[sflag:s7] =	ssyncset.done $0x0  }
0x10: {  	[sflag:s7] =	ssyncadd.s32 $0xFFFFFF80  }
0x11: {  	[tilespmem:s8], [sflag:$0x1] =	stream.indirect.gather [hbm4b:s1+s8], $0x80, s3, s8, $0xb8;
	[tilespmem:$0x4080] =	vst v63  }
0x12: {  	_ =	swait.ge [sflag:s9], $0x4000  }
0x13: {  	[sflag:s9] =	ssyncset.done $0x0  }
0x14: {  	[sflag:s9] =	ssyncadd.s32 $0xFFFFC000  }
0x15: {  	[hbm4b:s5+s3] =	stream.linear.scatter [tilespmem:s8], [sflag:$0x2], $0x4000, $0x38;
	[tilespmem:$0x4080] =	vst v63  }
0x16: {  	s12 =	simm.s32 $0x10;
	_ =	swait.ge [sflag:s7], $0x4000  }
0x17: {  	s13 =	simm.s32 $0x20;
	s11 =	sadd.s32 $0x800, s5;
	[sflag:s7] =	ssyncset.done $0x0  }
.LBB2_2:
0x18: {  	s14 =	sadd.s32 s12, s6  }
0x19: {  	[sflag:s7] =	ssyncadd.s32 $0xFFFFC000;
	s12 =	smov.u32 s13;
	s15 =	sadd.s32 $0x10, s13  }
0x1a: {  	[tilespmem:s3], [sflag:$0x2] =	stream.linear.gather [hbm4b:s14+s3], $0x80, $0x38;
	[tilespmem:$0x4080] =	vst v63  }
0x1b: {  	p0 =	sne.s32 s13, $0xF0;
	_ =	swait.ge [sflag:s7], $0x80  }
0x1c: {  	[sflag:s7] =	ssyncset.done $0x0  }
0x1d: {  	[sflag:s7] =	ssyncadd.s32 $0xFFFFFF80  }
0x1e: {  	[tilespmem:s8], [sflag:$0x1] =	stream.indirect.gather [hbm4b:s1+s8], $0x80, s3, s8, $0xb8;
	[tilespmem:$0x4080] =	vst v63  }
0x1f: {  	_ =	swait.ge [sflag:s9], $0x4000  }
.Ltmp0:
0x20: {  	[sflag:s9] =	ssyncset.done $0x0;
	(pc) =	sbr.rel @p0 .LBB2_2-.Ltmp0, $4  }
0x21: {  	[sflag:s9] =	ssyncadd.s32 $0xFFFFC000  }
0x22: {  	[hbm4b:s11+s3] =	stream.linear.scatter [tilespmem:s8], [sflag:$0x2], $0x4000, $0x38;
	[tilespmem:$0x4080] =	vst v63  }
0x23: {  	_ =	swait.ge [sflag:s7], $0x4000  }
0x24: {  	s13 =	smov.u32 s15;
	s11 =	sadd.s32 $0x800, s11;
	[sflag:s7] =	ssyncset.done $0x0  }
0x25: {  	s12 =	sadd.s32 s12, s6;
	[sflag:s7] =	ssyncadd.s32 $0xFFFFC000  }
0x26: {  	[tilespmem:s3], [sflag:$0x2] =	stream.linear.gather [hbm4b:s12+s3], $0x80, $0x38;
	[tilespmem:$0x4080] =	vst v63  }
0x27: {  	_ =	swait.ge [sflag:s7], $0x80  }
0x28: {  	[sflag:s7] =	ssyncset.done $0x0  }
0x29: {  	[sflag:s7] =	ssyncadd.s32 $0xFFFFFF80  }
0x2a: {  	[tilespmem:s8], [sflag:$0x1] =	stream.indirect.gather [hbm4b:s1+s8], $0x80, s3, s8, $0xb8;
	[tilespmem:$0x4080] =	vst v63  }
0x2b: {  	s10 =	sadd.s32 $0x1, s10;
	_ =	swait.ge [sflag:s9], $0x4000  }
0x2c: {  	p0 =	sne.s32 s10, s4;
	[sflag:s9] =	ssyncset.done $0x0  }
.Ltmp1:
0x2d: {  	[sflag:s9] =	ssyncadd.s32 $0xFFFFC000;
	(pc) =	sbr.rel @p0 .LBB2_1-.Ltmp1, $4  }
0x2e: {  	[hbm4b:s11+s3] =	stream.linear.scatter [tilespmem:s8], [sflag:$0x2], $0x4000, $0x38;
	[tilespmem:$0x4080] =	vst v63  }
0x2f: {  	_ =	swait.ge [sflag:s7], $0x4000  }
0x30: {  	[sflag:s7] =	ssyncset.done $0x0  }
0x31: {  	[sflag:s7] =	ssyncadd.s32 $0xFFFFC000  }
0x32: {  	_ =	sfence.sel $0x180000  }
0x33: {  	[bflag:$0x0] =	sbarrier.arrive $0xFFFF  }
0x34: {  	p0 =	sne.s32 s2, $0x0;
	_ =	strace $0x90000050  }
0x35: {  	s0 =	sadd.s32 @!p0 $0x100000, s0;
	[bflag:$0x2] =	sbarrier.arrive $0xFFFF  }
0x36: {  	[sflag:s0] =	ssyncadd.tile.s32 @!p0 $0x1;
	_ =	shalt  }
.Lfunc_end2:
_tile_overlayer_lowered:
.L_overlay_start_2:
0x37: {  	(tag) =	ssettag $0x2  }
0x38: {  	s0 =	rddreg [dreg:$0x0];
	s2 =	stileid.u32  }
0x39: {  	s1 =	rddreg [dreg:$0x1];
	p0 =	sne.s32 s2, $0x0  }
0x3a: {  	s3 =	rddreg [dreg:$0x2];
	[bflag:$0x3] =	sbarrier.arrive $0xFFFF;
	s2 =	simm.s32 @!p0 $0x1C02  }
0x3b: {  	[timem:s3], [sflag:s2] =	dma.local @!p0 [hbm:s0], s1  }
0x3c: {  	s0 =	simm.s32 @!p0 $0x2  }
0x3d: {  	_ =	swait.ge @!p0 [sflag:s0], s1  }
0x3e: {  	s1 =	ssub.s32 @!p0 $0x0, s1;
	[sflag:s0] =	ssyncset.done @!p0 $0x0  }
0x3f: {  	[sflag:s0] =	ssyncadd.s32 @!p0 s1  }
0x40: {  	[bflag:$0x3] =	sbarrier.arrive $0xFFFF  }
0x41: {  	_ =	shalt  }

</sc_bundles>
